<compile_context>
chip_gen: v7x
topology: tpu7x:2x2x1
jax: 0.10.2.dev20260603
libtpu: 0.0.44.dev20260713+nightly
codegen_flags: <defaults>
</compile_context>

<pallas_src>
import functools

import jax
import jax.numpy as jnp
from jax import lax
from jax.experimental import pallas as pl
from jax.experimental.pallas import tpu as pltpu
from jax.experimental.pallas import tpu_sc as plsc

_NC = 2
_NS = 16
_NW = _NC * _NS
_L = 16
_NBUF = 3


def _transe_sc(h_head, h_tail, rels, rel_emb, S):
    B, F = h_head.shape
    bpw = S // _NW
    C = max(c for c in range(16, min(bpw, 160) + 1, 16) if bpw % c == 0)
    nchunks = bpw // C
    nbuf = min(_NBUF, nchunks)
    W = C + 1
    mesh = plsc.VectorSubcoreMesh(core_axis_name="c", subcore_axis_name="s")

    N = rel_emb.shape[0]
    scratch = dict(
        idx_v=pltpu.VMEM((bpw,), jnp.int32),
        out_v=pltpu.VMEM((bpw,), jnp.float32),
        tr_v=pltpu.VMEM((_L * W,), jnp.float32),
        tbl=pltpu.VMEM_SHARED((N, F), jnp.float32),
        isem=pltpu.SemaphoreType.DMA,
        hsem=pltpu.SemaphoreType.DMA((nbuf,)),
        tsem=pltpu.SemaphoreType.DMA((nbuf,)),
        rsem=pltpu.SemaphoreType.DMA((nbuf,)),
    )
    for i in range(nbuf):
        scratch[f"hp{i}"] = pltpu.VMEM((C, F), jnp.float32)
        scratch[f"t{i}"] = pltpu.VMEM((C, F), jnp.float32)

    @functools.partial(
        pl.kernel,
        out_type=jax.ShapeDtypeStruct((B,), jnp.float32),
        mesh=mesh,
        scratch_types=scratch,
        compiler_params=pltpu.CompilerParams(needs_layout_passes=False),
    )
    def k(head_hbm, tail_hbm, rels_hbm, emb_hbm, out_hbm,
          idx_v, out_v, tr_v, tbl, isem, hsem, tsem, rsem, **bufs):
        hp = [bufs[f"hp{i}"] for i in range(nbuf)]
        tb = [bufs[f"t{i}"] for i in range(nbuf)]
        wid = lax.axis_index("s") * _NC + lax.axis_index("c")
        base = wid * bpw
        lanes = lax.iota(jnp.int32, _L)
        lanes_w = lanes * W

        def issue_ht(g):
            s = g % nbuf
            ch = pltpu.async_copy(head_hbm.at[pl.ds(base + g * C, C)],
                                  hp[s], hsem.at[s])
            ct = pltpu.async_copy(tail_hbm.at[pl.ds(base + g * C, C)],
                                  tb[s], tsem.at[s])
            return ch, ct

        def issue_r(g):
            s = g % nbuf
            return pltpu.async_copy(tbl.at[idx_v.at[pl.ds(g * C, C)]],
                                    hp[s], rsem.at[s], add=True)

        cph, cpt, cpr = {}, {}, {}
        cph[0], cpt[0] = issue_ht(0)
        cpi = pltpu.async_copy(rels_hbm.at[pl.ds(base, bpw)], idx_v, isem)

        @pl.when(lax.axis_index("s") == 0)
        def _():
            pltpu.sync_copy(emb_hbm, tbl)

        plsc.subcore_barrier()
        cpi.wait()
        cph[0].wait()
        cpr[0] = issue_r(0)
        if nchunks > 1:
            cph[1], cpt[1] = issue_ht(1)

        for g in range(nchunks):
            if g + 1 < nchunks:
                cph[g + 1].wait()
                cpr[g + 1] = issue_r(g + 1)
            if g + 2 < nchunks:
                cph[g + 2], cpt[g + 2] = issue_ht(g + 2)
            cpr[g].wait()
            cpt[g].wait()
            s = g % nbuf
            hp_g, t_g = hp[s], tb[s]

            @plsc.parallel_loop(0, C, unroll=4)
            def _(r, hp_g=hp_g, t_g=t_g):
                d = [jnp.abs(hp_g[r, pl.ds(v * _L, _L)] -
                             t_g[r, pl.ds(v * _L, _L)])
                     for v in range(F // _L)]
                while len(d) > 1:
                    d = [a + b for a, b in zip(d[::2], d[1::2])]
                plsc.store_scatter(tr_v, [lanes_w + r], d[0])

            def group_body(g2, carry, g=g):
                col0 = g2 * _L
                out_acc = tr_v[pl.ds(col0, _L)]
                for j in range(1, _L):
                    out_acc = out_acc + tr_v[pl.ds(j * W + col0, _L)]
                out_v[pl.ds(g * C + g2 * _L, _L)] = -out_acc
                return carry

            lax.fori_loop(0, C // _L, group_body, 0)
        pltpu.sync_copy(out_v, out_hbm.at[pl.ds(base, bpw)])

    return k(h_head, h_tail, rels, rel_emb)


_TC_BLK = 1024


def _transe_tc(h_head, h_tail, rels, rel_emb, S):
    B, F = h_head.shape
    NT = rel_emb.shape[0]
    grid = (B - S) // _TC_BLK
    off = S // _TC_BLK
    rels3 = rels.reshape(B // _TC_BLK, 1, _TC_BLK)

    def body(h_ref, t_ref, r_ref, e_ref, o_ref):
        r_blk = r_ref[0, 0, :]
        col = jax.lax.broadcasted_iota(jnp.int32, (_TC_BLK, NT), 1)
        onehot = (r_blk[:, None] == col).astype(jnp.bfloat16)
        rel = jnp.dot(onehot, e_ref[...].astype(jnp.bfloat16),
                      preferred_element_type=jnp.float32)
        score = jnp.sum(jnp.abs(h_ref[...] + rel - t_ref[...]), axis=1)
        o_ref[0, 0, :] = -score

    out = pl.pallas_call(
        body,
        grid=(grid,),
        in_specs=[
            pl.BlockSpec((_TC_BLK, F), lambda i: (i + off, 0)),
            pl.BlockSpec((_TC_BLK, F), lambda i: (i + off, 0)),
            pl.BlockSpec((1, 1, _TC_BLK), lambda i: (i + off, 0, 0)),
            pl.BlockSpec((NT, F), lambda i: (0, 0)),
        ],
        out_specs=pl.BlockSpec((1, 1, _TC_BLK), lambda i: (i, 0, 0)),
        out_shape=jax.ShapeDtypeStruct((grid, 1, _TC_BLK), jnp.float32),
    )(h_head, h_tail, rels3, rel_emb)
    return out.reshape(B - S)


_SC_ROWS = 10240


def kernel(h_head, h_tail, rels, rel_emb):
    rels = rels.astype(jnp.int32)
    out_sc = _transe_sc(h_head, h_tail, rels, rel_emb, _SC_ROWS)
    out_tc = _transe_tc(h_head, h_tail, rels, rel_emb, _SC_ROWS)
    return jax.lax.dynamic_update_slice(out_sc, out_tc, (_SC_ROWS,))

# --- scband reference (transcript-rebuilt; emitter-appended) ---
"""Pipeline reference for scband-trans-e-2602750181984 (READ-ONLY COPY).

The authoritative reference and input builder live on the scoring server;
editing this copy changes nothing except your own understanding.
"""

import jax, jax.numpy as jnp
import numpy as np

NUM_RELS = 1000
FEATS = 128
BATCH = 16384
P = 1


def setup_inputs(seed: int = 0) -> dict:
    key = jax.random.key(seed)
    k1, k2, k3, k4 = jax.random.split(key, 4)
    h_head = jax.random.normal(k1, (BATCH, FEATS), dtype=jnp.float32)
    h_tail = jax.random.normal(k2, (BATCH, FEATS), dtype=jnp.float32)
    rels = jax.random.randint(k3, (BATCH,), 0, NUM_RELS, dtype=jnp.int64 if jax.config.jax_enable_x64 else jnp.int32)
    # nn.Embedding default init: N(0, 1)
    rel_emb = jax.random.normal(k4, (NUM_RELS, FEATS), dtype=jnp.float32)
    return {"h_head": h_head, "h_tail": h_tail, "rels": rels, "rel_emb": rel_emb}


def reference(h_head, h_tail, rels, rel_emb):
    # h_rel = self.rel_emb(rels)  -> embedding gather
    h_rel = jnp.take(rel_emb, rels, axis=0)
    diff = h_head + h_rel - h_tail
    # torch.norm(diff, p=1, dim=-1) == sum(|diff|, axis=-1)
    return -jnp.sum(jnp.abs(diff), axis=-1)

if __name__ == "__main__":
    import jax
    _d = setup_inputs()
    print(jax.jit(kernel)(*tuple(_d.values())))

</pallas_src>

<mosaic_0001>
#map = affine_map<(d0, d1) -> (0, 0)>
#map1 = affine_map<(d0, d1) -> (0)>
module attributes {stable_mosaic.version = 14 : i64} {
  func.func @k(%arg0: i32, %arg1: i32, %arg2: memref<16384x128xf32, #tpu.memory_space<hbm>>, %arg3: memref<16384x128xf32, #tpu.memory_space<hbm>>, %arg4: memref<16384xi32, #tpu.memory_space<hbm>>, %arg5: memref<1000x128xf32, #tpu.memory_space<hbm>>, %arg6: memref<16384xf32, #tpu.memory_space<hbm>>, %arg7: memref<160x128xf32, #tpu.memory_space<vmem>>, %arg8: memref<160x128xf32, #tpu.memory_space<vmem>>, %arg9: memref<2x!tpu.dma_semaphore, #tpu.memory_space<semaphore_mem>>, %arg10: memref<320xi32, #tpu.memory_space<vmem>>, %arg11: memref<!tpu.dma_semaphore, #tpu.memory_space<semaphore_mem>>, %arg12: memref<320xf32, #tpu.memory_space<vmem>>, %arg13: memref<2x!tpu.dma_semaphore, #tpu.memory_space<semaphore_mem>>, %arg14: memref<160x128xf32, #tpu.memory_space<vmem>>, %arg15: memref<160x128xf32, #tpu.memory_space<vmem>>, %arg16: memref<1000x128xf32, #tpu.memory_space<vmem_shared>>, %arg17: memref<2576xf32, #tpu.memory_space<vmem>>, %arg18: memref<2x!tpu.dma_semaphore, #tpu.memory_space<semaphore_mem>>) attributes {dimension_semantics = [#tpu.dimension_semantics<core_parallel>, #tpu.dimension_semantics<subcore_parallel>], iteration_bounds = array<i64: 2, 16>, scalar_prefetch = 0 : i64, scratch_operands = 12 : i64, tpu.core_type = #tpu.core_type<sc_vector_subcore>, window_params = [{transform_indices = #map}, {transform_indices = #map}, {transform_indices = #map1}, {transform_indices = #map}, {transform_indices = #map1}]} {
    %mul3A = arith.constant 2 : i32
    %mul3A_0 = arith.muli %arg1, %mul3A : i32
    %add3A = arith.addi %mul3A_0, %arg0 : i32
    %mul3A_1 = arith.constant 320 : i32
    %mul3A_2 = arith.muli %add3A, %mul3A_1 : i32
    %iota3A = tpu.iota {dimensions = array<i32: 0>} : vector<16xi32>
    %mul3A_3 = arith.constant 161 : i32
    %mul3A_4 = vector.broadcast %mul3A_3 : i32 to vector<16xi32>
    %mul3A_5 = arith.muli %iota3A, %mul3A_4 : vector<16xi32>
    %add3A_6 = arith.constant 0 : i32
    %add3A_7 = arith.addi %mul3A_2, %add3A_6 : i32
    %dma_start3A = arith.constant 0 : i32
    %dma_start3A_8 = arith.constant 0 : i32
    %dma_start3A_9 = tpu.memref_slice %arg2[%add3A_7, %dma_start3A_8] : memref<16384x128xf32, #tpu.memory_space<hbm>> -> memref<160x128xf32, #tpu.memory_space<hbm>>
    %dma_start3A_10 = tpu.memref_slice %arg9[%dma_start3A] : memref<2x!tpu.dma_semaphore, #tpu.memory_space<semaphore_mem>> -> memref<1x!tpu.dma_semaphore, #tpu.memory_space<semaphore_mem>>
    %dma_start3A_11 = tpu.memref_squeeze %dma_start3A_10 : memref<1x!tpu.dma_semaphore, #tpu.memory_space<semaphore_mem>> -> memref<!tpu.dma_semaphore, #tpu.memory_space<semaphore_mem>>
    %dma_start3A_12 = arith.constant 0 : i32
    %dma_start3A_13 = tpu.memref_slice %arg2[%add3A_7, %dma_start3A_12] : memref<16384x128xf32, #tpu.memory_space<hbm>> -> memref<160x128xf32, #tpu.memory_space<hbm>>
    tpu.enqueue_dma source(%dma_start3A_13 : memref<160x128xf32, #tpu.memory_space<hbm>>) target(%arg7 : memref<160x128xf32, #tpu.memory_space<vmem>>) target_semaphore(%dma_start3A_11 : memref<!tpu.dma_semaphore, #tpu.memory_space<semaphore_mem>>)
    %add3A_14 = arith.constant 0 : i32
    %add3A_15 = arith.addi %mul3A_2, %add3A_14 : i32
    %dma_start3A_16 = arith.constant 0 : i32
    %dma_start3A_17 = arith.constant 0 : i32
    %dma_start3A_18 = tpu.memref_slice %arg3[%add3A_15, %dma_start3A_17] : memref<16384x128xf32, #tpu.memory_space<hbm>> -> memref<160x128xf32, #tpu.memory_space<hbm>>
    %dma_start3A_19 = tpu.memref_slice %arg18[%dma_start3A_16] : memref<2x!tpu.dma_semaphore, #tpu.memory_space<semaphore_mem>> -> memref<1x!tpu.dma_semaphore, #tpu.memory_space<semaphore_mem>>
    %dma_start3A_20 = tpu.memref_squeeze %dma_start3A_19 : memref<1x!tpu.dma_semaphore, #tpu.memory_space<semaphore_mem>> -> memref<!tpu.dma_semaphore, #tpu.memory_space<semaphore_mem>>
    %dma_start3A_21 = arith.constant 0 : i32
    %dma_start3A_22 = tpu.memref_slice %arg3[%add3A_15, %dma_start3A_21] : memref<16384x128xf32, #tpu.memory_space<hbm>> -> memref<160x128xf32, #tpu.memory_space<hbm>>
    tpu.enqueue_dma source(%dma_start3A_22 : memref<160x128xf32, #tpu.memory_space<hbm>>) target(%arg14 : memref<160x128xf32, #tpu.memory_space<vmem>>) target_semaphore(%dma_start3A_20 : memref<!tpu.dma_semaphore, #tpu.memory_space<semaphore_mem>>)
    %dma_start3A_23 = tpu.memref_slice %arg4[%mul3A_2] : memref<16384xi32, #tpu.memory_space<hbm>> -> memref<320xi32, #tpu.memory_space<hbm>>
    %dma_start3A_24 = tpu.memref_slice %arg4[%mul3A_2] : memref<16384xi32, #tpu.memory_space<hbm>> -> memref<320xi32, #tpu.memory_space<hbm>>
    tpu.enqueue_dma source(%dma_start3A_24 : memref<320xi32, #tpu.memory_space<hbm>>) target(%arg10 : memref<320xi32, #tpu.memory_space<vmem>>) target_semaphore(%arg11 : memref<!tpu.dma_semaphore, #tpu.memory_space<semaphore_mem>>)
    %eq3A = arith.constant 0 : i32
    %eq3A_25 = arith.cmpi eq, %arg1, %eq3A : i32
    %convert_element_type3A = arith.extui %eq3A_25 : i1 to i32
    %cond3A = arith.constant 0 : i32
    %cond3A_26 = arith.cmpi ne, %convert_element_type3A, %cond3A : i32
    scf.if %cond3A_26 {
      "tpu.region"() ({
        %run_scoped3A = tpu.sem_alloc : memref<!tpu.dma_semaphore, #tpu.memory_space<semaphore_mem>>
        tpu.enqueue_dma source(%arg5 : memref<1000x128xf32, #tpu.memory_space<hbm>>) target(%arg16 : memref<1000x128xf32, #tpu.memory_space<vmem_shared>>) target_semaphore(%run_scoped3A : memref<!tpu.dma_semaphore, #tpu.memory_space<semaphore_mem>>)
        tpu.wait_dma2 semaphore(%run_scoped3A : memref<!tpu.dma_semaphore, #tpu.memory_space<semaphore_mem>>) src(%arg5 : memref<1000x128xf32, #tpu.memory_space<hbm>>) dst(%arg16 : memref<1000x128xf32, #tpu.memory_space<vmem_shared>>)
        tpu.yield
      }) : () -> ()
    } else {
    }
    %barrier3A = arith.constant 0 : index
    tpu.barrier barrier_id(%barrier3A)
    %dma_wait3A = tpu.memref_slice %arg4[%mul3A_2] : memref<16384xi32, #tpu.memory_space<hbm>> -> memref<320xi32, #tpu.memory_space<hbm>>
    %dma_wait3A_27 = tpu.memref_slice %arg4[%mul3A_2] : memref<16384xi32, #tpu.memory_space<hbm>> -> memref<320xi32, #tpu.memory_space<hbm>>
    tpu.wait_dma2 semaphore(%arg11 : memref<!tpu.dma_semaphore, #tpu.memory_space<semaphore_mem>>) src(%dma_wait3A_27 : memref<320xi32, #tpu.memory_space<hbm>>) dst(%arg10 : memref<320xi32, #tpu.memory_space<vmem>>)
    %dma_wait3A_28 = arith.constant 0 : i32
    %dma_wait3A_29 = arith.constant 0 : i32
    %dma_wait3A_30 = tpu.memref_slice %arg2[%add3A_7, %dma_wait3A_29] : memref<16384x128xf32, #tpu.memory_space<hbm>> -> memref<160x128xf32, #tpu.memory_space<hbm>>
    %dma_wait3A_31 = tpu.memref_slice %arg9[%dma_wait3A_28] : memref<2x!tpu.dma_semaphore, #tpu.memory_space<semaphore_mem>> -> memref<1x!tpu.dma_semaphore, #tpu.memory_space<semaphore_mem>>
    %dma_wait3A_32 = tpu.memref_squeeze %dma_wait3A_31 : memref<1x!tpu.dma_semaphore, #tpu.memory_space<semaphore_mem>> -> memref<!tpu.dma_semaphore, #tpu.memory_space<semaphore_mem>>
    %dma_wait3A_33 = arith.constant 0 : i32
    %dma_wait3A_34 = tpu.memref_slice %arg2[%add3A_7, %dma_wait3A_33] : memref<16384x128xf32, #tpu.memory_space<hbm>> -> memref<160x128xf32, #tpu.memory_space<hbm>>
    tpu.wait_dma2 semaphore(%dma_wait3A_32 : memref<!tpu.dma_semaphore, #tpu.memory_space<semaphore_mem>>) src(%dma_wait3A_34 : memref<160x128xf32, #tpu.memory_space<hbm>>) dst(%arg7 : memref<160x128xf32, #tpu.memory_space<vmem>>)
    %dma_start3A_35 = arith.constant 0 : i32
    %dma_start3A_36 = arith.constant 0 : i32
    %dma_start3A_37 = tpu.memref_slice %arg10[%dma_start3A_36] : memref<320xi32, #tpu.memory_space<vmem>> -> memref<160xi32, #tpu.memory_space<vmem>>
    %dma_start3A_38 = arith.constant 0 : i32
    %dma_start3A_39 = arith.constant 0 : i32
    %dma_start3A_40 = tpu.memref_slice %arg16[%dma_start3A_38, %dma_start3A_39] : memref<1000x128xf32, #tpu.memory_space<vmem_shared>> -> memref<1000x128xf32, #tpu.memory_space<vmem_shared>>
    %dma_start3A_41 = tpu.memref_slice %arg13[%dma_start3A_35] : memref<2x!tpu.dma_semaphore, #tpu.memory_space<semaphore_mem>> -> memref<1x!tpu.dma_semaphore, #tpu.memory_space<semaphore_mem>>
    %dma_start3A_42 = tpu.memref_squeeze %dma_start3A_41 : memref<1x!tpu.dma_semaphore, #tpu.memory_space<semaphore_mem>> -> memref<!tpu.dma_semaphore, #tpu.memory_space<semaphore_mem>>
    tpu.enqueue_indirect_dma source(%dma_start3A_40 : memref<1000x128xf32, #tpu.memory_space<vmem_shared>>) target(%arg7 : memref<160x128xf32, #tpu.memory_space<vmem>>) offsets(%dma_start3A_37 : memref<160xi32, #tpu.memory_space<vmem>>) semaphore(%dma_start3A_42 : memref<!tpu.dma_semaphore, #tpu.memory_space<semaphore_mem>>) {add = true}
    %add3A_43 = arith.constant 160 : i32
    %add3A_44 = arith.addi %mul3A_2, %add3A_43 : i32
    %dma_start3A_45 = arith.constant 1 : i32
    %dma_start3A_46 = arith.constant 0 : i32
    %dma_start3A_47 = tpu.memref_slice %arg2[%add3A_44, %dma_start3A_46] : memref<16384x128xf32, #tpu.memory_space<hbm>> -> memref<160x128xf32, #tpu.memory_space<hbm>>
    %dma_start3A_48 = tpu.memref_slice %arg9[%dma_start3A_45] : memref<2x!tpu.dma_semaphore, #tpu.memory_space<semaphore_mem>> -> memref<1x!tpu.dma_semaphore, #tpu.memory_space<semaphore_mem>>
    %dma_start3A_49 = tpu.memref_squeeze %dma_start3A_48 : memref<1x!tpu.dma_semaphore, #tpu.memory_space<semaphore_mem>> -> memref<!tpu.dma_semaphore, #tpu.memory_space<semaphore_mem>>
    %dma_start3A_50 = arith.constant 0 : i32
    %dma_start3A_51 = tpu.memref_slice %arg2[%add3A_44, %dma_start3A_50] : memref<16384x128xf32, #tpu.memory_space<hbm>> -> memref<160x128xf32, #tpu.memory_space<hbm>>
    tpu.enqueue_dma source(%dma_start3A_51 : memref<160x128xf32, #tpu.memory_space<hbm>>) target(%arg8 : memref<160x128xf32, #tpu.memory_space<vmem>>) target_semaphore(%dma_start3A_49 : memref<!tpu.dma_semaphore, #tpu.memory_space<semaphore_mem>>)
    %add3A_52 = arith.constant 160 : i32
    %add3A_53 = arith.addi %mul3A_2, %add3A_52 : i32
    %dma_start3A_54 = arith.constant 1 : i32
    %dma_start3A_55 = arith.constant 0 : i32
    %dma_start3A_56 = tpu.memref_slice %arg3[%add3A_53, %dma_start3A_55] : memref<16384x128xf32, #tpu.memory_space<hbm>> -> memref<160x128xf32, #tpu.memory_space<hbm>>
    %dma_start3A_57 = tpu.memref_slice %arg18[%dma_start3A_54] : memref<2x!tpu.dma_semaphore, #tpu.memory_space<semaphore_mem>> -> memref<1x!tpu.dma_semaphore, #tpu.memory_space<semaphore_mem>>
    %dma_start3A_58 = tpu.memref_squeeze %dma_start3A_57 : memref<1x!tpu.dma_semaphore, #tpu.memory_space<semaphore_mem>> -> memref<!tpu.dma_semaphore, #tpu.memory_space<semaphore_mem>>
    %dma_start3A_59 = arith.constant 0 : i32
    %dma_start3A_60 = tpu.memref_slice %arg3[%add3A_53, %dma_start3A_59] : memref<16384x128xf32, #tpu.memory_space<hbm>> -> memref<160x128xf32, #tpu.memory_space<hbm>>
    tpu.enqueue_dma source(%dma_start3A_60 : memref<160x128xf32, #tpu.memory_space<hbm>>) target(%arg15 : memref<160x128xf32, #tpu.memory_space<vmem>>) target_semaphore(%dma_start3A_58 : memref<!tpu.dma_semaphore, #tpu.memory_space<semaphore_mem>>)
    %dma_wait3A_61 = arith.constant 1 : i32
    %dma_wait3A_62 = arith.constant 0 : i32
    %dma_wait3A_63 = tpu.memref_slice %arg2[%add3A_44, %dma_wait3A_62] : memref<16384x128xf32, #tpu.memory_space<hbm>> -> memref<160x128xf32, #tpu.memory_space<hbm>>
    %dma_wait3A_64 = tpu.memref_slice %arg9[%dma_wait3A_61] : memref<2x!tpu.dma_semaphore, #tpu.memory_space<semaphore_mem>> -> memref<1x!tpu.dma_semaphore, #tpu.memory_space<semaphore_mem>>
    %dma_wait3A_65 = tpu.memref_squeeze %dma_wait3A_64 : memref<1x!tpu.dma_semaphore, #tpu.memory_space<semaphore_mem>> -> memref<!tpu.dma_semaphore, #tpu.memory_space<semaphore_mem>>
    %dma_wait3A_66 = arith.constant 0 : i32
    %dma_wait3A_67 = tpu.memref_slice %arg2[%add3A_44, %dma_wait3A_66] : memref<16384x128xf32, #tpu.memory_space<hbm>> -> memref<160x128xf32, #tpu.memory_space<hbm>>
    tpu.wait_dma2 semaphore(%dma_wait3A_65 : memref<!tpu.dma_semaphore, #tpu.memory_space<semaphore_mem>>) src(%dma_wait3A_67 : memref<160x128xf32, #tpu.memory_space<hbm>>) dst(%arg8 : memref<160x128xf32, #tpu.memory_space<vmem>>)
    %dma_start3A_68 = arith.constant 1 : i32
    %dma_start3A_69 = arith.constant 160 : i32
    %dma_start3A_70 = tpu.memref_slice %arg10[%dma_start3A_69] : memref<320xi32, #tpu.memory_space<vmem>> -> memref<160xi32, #tpu.memory_space<vmem>>
    %dma_start3A_71 = arith.constant 0 : i32
    %dma_start3A_72 = arith.constant 0 : i32
    %dma_start3A_73 = tpu.memref_slice %arg16[%dma_start3A_71, %dma_start3A_72] : memref<1000x128xf32, #tpu.memory_space<vmem_shared>> -> memref<1000x128xf32, #tpu.memory_space<vmem_shared>>
    %dma_start3A_74 = tpu.memref_slice %arg13[%dma_start3A_68] : memref<2x!tpu.dma_semaphore, #tpu.memory_space<semaphore_mem>> -> memref<1x!tpu.dma_semaphore, #tpu.memory_space<semaphore_mem>>
    %dma_start3A_75 = tpu.memref_squeeze %dma_start3A_74 : memref<1x!tpu.dma_semaphore, #tpu.memory_space<semaphore_mem>> -> memref<!tpu.dma_semaphore, #tpu.memory_space<semaphore_mem>>
    tpu.enqueue_indirect_dma source(%dma_start3A_73 : memref<1000x128xf32, #tpu.memory_space<vmem_shared>>) target(%arg8 : memref<160x128xf32, #tpu.memory_space<vmem>>) offsets(%dma_start3A_70 : memref<160xi32, #tpu.memory_space<vmem>>) semaphore(%dma_start3A_75 : memref<!tpu.dma_semaphore, #tpu.memory_space<semaphore_mem>>) {add = true}
    %dma_wait3A_76 = arith.constant 0 : i32
    %dma_wait3A_77 = arith.constant 0 : i32
    %dma_wait3A_78 = tpu.memref_slice %arg10[%dma_wait3A_77] : memref<320xi32, #tpu.memory_space<vmem>> -> memref<160xi32, #tpu.memory_space<vmem>>
    %dma_wait3A_79 = arith.constant 0 : i32
    %dma_wait3A_80 = arith.constant 0 : i32
    %dma_wait3A_81 = tpu.memref_slice %arg16[%dma_wait3A_79, %dma_wait3A_80] : memref<1000x128xf32, #tpu.memory_space<vmem_shared>> -> memref<1000x128xf32, #tpu.memory_space<vmem_shared>>
    %dma_wait3A_82 = tpu.memref_slice %arg13[%dma_wait3A_76] : memref<2x!tpu.dma_semaphore, #tpu.memory_space<semaphore_mem>> -> memref<1x!tpu.dma_semaphore, #tpu.memory_space<semaphore_mem>>
    %dma_wait3A_83 = tpu.memref_squeeze %dma_wait3A_82 : memref<1x!tpu.dma_semaphore, #tpu.memory_space<semaphore_mem>> -> memref<!tpu.dma_semaphore, #tpu.memory_space<semaphore_mem>>
    tpu.wait_indirect_dma semaphore(%dma_wait3A_83 : memref<!tpu.dma_semaphore, #tpu.memory_space<semaphore_mem>>) src(%dma_wait3A_81 : memref<1000x128xf32, #tpu.memory_space<vmem_shared>>) dst(%arg7 : memref<160x128xf32, #tpu.memory_space<vmem>>)
    %dma_wait3A_84 = arith.constant 0 : i32
    %dma_wait3A_85 = arith.constant 0 : i32
    %dma_wait3A_86 = tpu.memref_slice %arg3[%add3A_15, %dma_wait3A_85] : memref<16384x128xf32, #tpu.memory_space<hbm>> -> memref<160x128xf32, #tpu.memory_space<hbm>>
    %dma_wait3A_87 = tpu.memref_slice %arg18[%dma_wait3A_84] : memref<2x!tpu.dma_semaphore, #tpu.memory_space<semaphore_mem>> -> memref<1x!tpu.dma_semaphore, #tpu.memory_space<semaphore_mem>>
    %dma_wait3A_88 = tpu.memref_squeeze %dma_wait3A_87 : memref<1x!tpu.dma_semaphore, #tpu.memory_space<semaphore_mem>> -> memref<!tpu.dma_semaphore, #tpu.memory_space<semaphore_mem>>
    %dma_wait3A_89 = arith.constant 0 : i32
    %dma_wait3A_90 = tpu.memref_slice %arg3[%add3A_15, %dma_wait3A_89] : memref<16384x128xf32, #tpu.memory_space<hbm>> -> memref<160x128xf32, #tpu.memory_space<hbm>>
    tpu.wait_dma2 semaphore(%dma_wait3A_88 : memref<!tpu.dma_semaphore, #tpu.memory_space<semaphore_mem>>) src(%dma_wait3A_90 : memref<160x128xf32, #tpu.memory_space<hbm>>) dst(%arg14 : memref<160x128xf32, #tpu.memory_space<vmem>>)
    %parallel_loop3A = arith.constant 0 : i32
    %parallel_loop3A_91 = arith.constant 160 : i32
    %parallel_loop3A_92 = arith.constant 1 : i32
    scf.for %parallel_loop3A_122 = %parallel_loop3A to %parallel_loop3A_91 step %parallel_loop3A_92  : i32 {
      %parallel_loop3A_123 = arith.index_cast %parallel_loop3A_122 : i32 to index
      %parallel_loop3A_124 = arith.constant 0 : index
      %parallel_loop3A_125 = tpu.vector_load %arg7[%parallel_loop3A_123, %parallel_loop3A_124] {strides = array<i32>} : memref<160x128xf32, #tpu.memory_space<vmem>>, vector<16xf32>,
      %parallel_loop3A_126 = arith.index_cast %parallel_loop3A_122 : i32 to index
      %parallel_loop3A_127 = arith.constant 0 : index
      %parallel_loop3A_128 = tpu.vector_load %arg14[%parallel_loop3A_126, %parallel_loop3A_127] {strides = array<i32>} : memref<160x128xf32, #tpu.memory_space<vmem>>, vector<16xf32>,
      %parallel_loop3A_129 = arith.subf %parallel_loop3A_125, %parallel_loop3A_128 : vector<16xf32>
      %parallel_loop3A_130 = math.absf %parallel_loop3A_129 : vector<16xf32>
      %parallel_loop3A_131 = arith.index_cast %parallel_loop3A_122 : i32 to index
      %parallel_loop3A_132 = arith.constant 16 : index
      %parallel_loop3A_133 = tpu.vector_load %arg7[%parallel_loop3A_131, %parallel_loop3A_132] {strides = array<i32>} : memref<160x128xf32, #tpu.memory_space<vmem>>, vector<16xf32>,
      %parallel_loop3A_134 = arith.index_cast %parallel_loop3A_122 : i32 to index
      %parallel_loop3A_135 = arith.constant 16 : index
      %parallel_loop3A_136 = tpu.vector_load %arg14[%parallel_loop3A_134, %parallel_loop3A_135] {strides = array<i32>} : memref<160x128xf32, #tpu.memory_space<vmem>>, vector<16xf32>,
      %parallel_loop3A_137 = arith.subf %parallel_loop3A_133, %parallel_loop3A_136 : vector<16xf32>
      %parallel_loop3A_138 = math.absf %parallel_loop3A_137 : vector<16xf32>
      %parallel_loop3A_139 = arith.index_cast %parallel_loop3A_122 : i32 to index
      %parallel_loop3A_140 = arith.constant 32 : index
      %parallel_loop3A_141 = tpu.vector_load %arg7[%parallel_loop3A_139, %parallel_loop3A_140] {strides = array<i32>} : memref<160x128xf32, #tpu.memory_space<vmem>>, vector<16xf32>,
      %parallel_loop3A_142 = arith.index_cast %parallel_loop3A_122 : i32 to index
      %parallel_loop3A_143 = arith.constant 32 : index
      %parallel_loop3A_144 = tpu.vector_load %arg14[%parallel_loop3A_142, %parallel_loop3A_143] {strides = array<i32>} : memref<160x128xf32, #tpu.memory_space<vmem>>, vector<16xf32>,
      %parallel_loop3A_145 = arith.subf %parallel_loop3A_141, %parallel_loop3A_144 : vector<16xf32>
      %parallel_loop3A_146 = math.absf %parallel_loop3A_145 : vector<16xf32>
      %parallel_loop3A_147 = arith.index_cast %parallel_loop3A_122 : i32 to index
      %parallel_loop3A_148 = arith.constant 48 : index
      %parallel_loop3A_149 = tpu.vector_load %arg7[%parallel_loop3A_147, %parallel_loop3A_148] {strides = array<i32>} : memref<160x128xf32, #tpu.memory_space<vmem>>, vector<16xf32>,
      %parallel_loop3A_150 = arith.index_cast %parallel_loop3A_122 : i32 to index
      %parallel_loop3A_151 = arith.constant 48 : index
      %parallel_loop3A_152 = tpu.vector_load %arg14[%parallel_loop3A_150, %parallel_loop3A_151] {strides = array<i32>} : memref<160x128xf32, #tpu.memory_space<vmem>>, vector<16xf32>,
      %parallel_loop3A_153 = arith.subf %parallel_loop3A_149, %parallel_loop3A_152 : vector<16xf32>
      %parallel_loop3A_154 = math.absf %parallel_loop3A_153 : vector<16xf32>
      %parallel_loop3A_155 = arith.index_cast %parallel_loop3A_122 : i32 to index
      %parallel_loop3A_156 = arith.constant 64 : index
      %parallel_loop3A_157 = tpu.vector_load %arg7[%parallel_loop3A_155, %parallel_loop3A_156] {strides = array<i32>} : memref<160x128xf32, #tpu.memory_space<vmem>>, vector<16xf32>,
      %parallel_loop3A_158 = arith.index_cast %parallel_loop3A_122 : i32 to index
      %parallel_loop3A_159 = arith.constant 64 : index
      %parallel_loop3A_160 = tpu.vector_load %arg14[%parallel_loop3A_158, %parallel_loop3A_159] {strides = array<i32>} : memref<160x128xf32, #tpu.memory_space<vmem>>, vector<16xf32>,
      %parallel_loop3A_161 = arith.subf %parallel_loop3A_157, %parallel_loop3A_160 : vector<16xf32>
      %parallel_loop3A_162 = math.absf %parallel_loop3A_161 : vector<16xf32>
      %parallel_loop3A_163 = arith.index_cast %parallel_loop3A_122 : i32 to index
      %parallel_loop3A_164 = arith.constant 80 : index
      %parallel_loop3A_165 = tpu.vector_load %arg7[%parallel_loop3A_163, %parallel_loop3A_164] {strides = array<i32>} : memref<160x128xf32, #tpu.memory_space<vmem>>, vector<16xf32>,
      %parallel_loop3A_166 = arith.index_cast %parallel_loop3A_122 : i32 to index
      %parallel_loop3A_167 = arith.constant 80 : index
      %parallel_loop3A_168 = tpu.vector_load %arg14[%parallel_loop3A_166, %parallel_loop3A_167] {strides = array<i32>} : memref<160x128xf32, #tpu.memory_space<vmem>>, vector<16xf32>,
      %parallel_loop3A_169 = arith.subf %parallel_loop3A_165, %parallel_loop3A_168 : vector<16xf32>
      %parallel_loop3A_170 = math.absf %parallel_loop3A_169 : vector<16xf32>
      %parallel_loop3A_171 = arith.index_cast %parallel_loop3A_122 : i32 to index
      %parallel_loop3A_172 = arith.constant 96 : index
      %parallel_loop3A_173 = tpu.vector_load %arg7[%parallel_loop3A_171, %parallel_loop3A_172] {strides = array<i32>} : memref<160x128xf32, #tpu.memory_space<vmem>>, vector<16xf32>,
      %parallel_loop3A_174 = arith.index_cast %parallel_loop3A_122 : i32 to index
      %parallel_loop3A_175 = arith.constant 96 : index
      %parallel_loop3A_176 = tpu.vector_load %arg14[%parallel_loop3A_174, %parallel_loop3A_175] {strides = array<i32>} : memref<160x128xf32, #tpu.memory_space<vmem>>, vector<16xf32>,
      %parallel_loop3A_177 = arith.subf %parallel_loop3A_173, %parallel_loop3A_176 : vector<16xf32>
      %parallel_loop3A_178 = math.absf %parallel_loop3A_177 : vector<16xf32>
      %parallel_loop3A_179 = arith.index_cast %parallel_loop3A_122 : i32 to index
      %parallel_loop3A_180 = arith.constant 112 : index
      %parallel_loop3A_181 = tpu.vector_load %arg7[%parallel_loop3A_179, %parallel_loop3A_180] {strides = array<i32>} : memref<160x128xf32, #tpu.memory_space<vmem>>, vector<16xf32>,
      %parallel_loop3A_182 = arith.index_cast %parallel_loop3A_122 : i32 to index
      %parallel_loop3A_183 = arith.constant 112 : index
      %parallel_loop3A_184 = tpu.vector_load %arg14[%parallel_loop3A_182, %parallel_loop3A_183] {strides = array<i32>} : memref<160x128xf32, #tpu.memory_space<vmem>>, vector<16xf32>,
      %parallel_loop3A_185 = arith.subf %parallel_loop3A_181, %parallel_loop3A_184 : vector<16xf32>
      %parallel_loop3A_186 = math.absf %parallel_loop3A_185 : vector<16xf32>
      %parallel_loop3A_187 = arith.addf %parallel_loop3A_130, %parallel_loop3A_138 : vector<16xf32>
      %parallel_loop3A_188 = arith.addf %parallel_loop3A_146, %parallel_loop3A_154 : vector<16xf32>
      %parallel_loop3A_189 = arith.addf %parallel_loop3A_162, %parallel_loop3A_170 : vector<16xf32>
      %parallel_loop3A_190 = arith.addf %parallel_loop3A_178, %parallel_loop3A_186 : vector<16xf32>
      %parallel_loop3A_191 = arith.addf %parallel_loop3A_187, %parallel_loop3A_188 : vector<16xf32>
      %parallel_loop3A_192 = arith.addf %parallel_loop3A_189, %parallel_loop3A_190 : vector<16xf32>
      %parallel_loop3A_193 = arith.addf %parallel_loop3A_191, %parallel_loop3A_192 : vector<16xf32>
      %parallel_loop3A_194 = vector.broadcast %parallel_loop3A_122 : i32 to vector<16xi32>
      %parallel_loop3A_195 = arith.addi %mul3A_5, %parallel_loop3A_194 : vector<16xi32>
      tpu.vector_store_idx %arg17[%parallel_loop3A_195], %parallel_loop3A_193 : memref<2576xf32, #tpu.memory_space<vmem>>[vector<16xi32>], vector<16xf32>,
    } {sc.loop_unroll_factor = 4 : i64, sc.parallel_access}
    %scan3A = arith.constant 0 : i32
    %scan3A_93 = arith.constant 0 : i32
    %scan3A_94 = arith.constant 10 : i32
    %scan3A_95 = arith.addi %scan3A_93, %scan3A_94 : i32
    %scan3A_96 = arith.constant 1 : i32
    scf.for %scan3A_122 = %scan3A_93 to %scan3A_95 step %scan3A_96  : i32 {
      %mul3A_123 = arith.constant 16 : i32
      %mul3A_124 = arith.muli %scan3A_122, %mul3A_123 : i32
      %get3A = arith.index_cast %mul3A_124 : i32 to index
      %get3A_125 = tpu.vector_load %arg17[%get3A] {strides = array<i32>} : memref<2576xf32, #tpu.memory_space<vmem>>, vector<16xf32>,
      %add3A_126 = arith.constant 161 : i32
      %add3A_127 = arith.addi %add3A_126, %mul3A_124 : i32
      %get3A_128 = arith.index_cast %add3A_127 : i32 to index
      %get3A_129 = tpu.vector_load %arg17[%get3A_128] {strides = array<i32>} : memref<2576xf32, #tpu.memory_space<vmem>>, vector<16xf32>,
      %add3A_130 = arith.addf %get3A_125, %get3A_129 : vector<16xf32>
      %add3A_131 = arith.constant 322 : i32
      %add3A_132 = arith.addi %add3A_131, %mul3A_124 : i32
      %get3A_133 = arith.index_cast %add3A_132 : i32 to index
      %get3A_134 = tpu.vector_load %arg17[%get3A_133] {strides = array<i32>} : memref<2576xf32, #tpu.memory_space<vmem>>, vector<16xf32>,
      %add3A_135 = arith.addf %add3A_130, %get3A_134 : vector<16xf32>
      %add3A_136 = arith.constant 483 : i32
      %add3A_137 = arith.addi %add3A_136, %mul3A_124 : i32
      %get3A_138 = arith.index_cast %add3A_137 : i32 to index
      %get3A_139 = tpu.vector_load %arg17[%get3A_138] {strides = array<i32>} : memref<2576xf32, #tpu.memory_space<vmem>>, vector<16xf32>,
      %add3A_140 = arith.addf %add3A_135, %get3A_139 : vector<16xf32>
      %add3A_141 = arith.constant 644 : i32
      %add3A_142 = arith.addi %add3A_141, %mul3A_124 : i32
      %get3A_143 = arith.index_cast %add3A_142 : i32 to index
      %get3A_144 = tpu.vector_load %arg17[%get3A_143] {strides = array<i32>} : memref<2576xf32, #tpu.memory_space<vmem>>, vector<16xf32>,
      %add3A_145 = arith.addf %add3A_140, %get3A_144 : vector<16xf32>
      %add3A_146 = arith.constant 805 : i32
      %add3A_147 = arith.addi %add3A_146, %mul3A_124 : i32
      %get3A_148 = arith.index_cast %add3A_147 : i32 to index
      %get3A_149 = tpu.vector_load %arg17[%get3A_148] {strides = array<i32>} : memref<2576xf32, #tpu.memory_space<vmem>>, vector<16xf32>,
      %add3A_150 = arith.addf %add3A_145, %get3A_149 : vector<16xf32>
      %add3A_151 = arith.constant 966 : i32
      %add3A_152 = arith.addi %add3A_151, %mul3A_124 : i32
      %get3A_153 = arith.index_cast %add3A_152 : i32 to index
      %get3A_154 = tpu.vector_load %arg17[%get3A_153] {strides = array<i32>} : memref<2576xf32, #tpu.memory_space<vmem>>, vector<16xf32>,
      %add3A_155 = arith.addf %add3A_150, %get3A_154 : vector<16xf32>
      %add3A_156 = arith.constant 1127 : i32
      %add3A_157 = arith.addi %add3A_156, %mul3A_124 : i32
      %get3A_158 = arith.index_cast %add3A_157 : i32 to index
      %get3A_159 = tpu.vector_load %arg17[%get3A_158] {strides = array<i32>} : memref<2576xf32, #tpu.memory_space<vmem>>, vector<16xf32>,
      %add3A_160 = arith.addf %add3A_155, %get3A_159 : vector<16xf32>
      %add3A_161 = arith.constant 1288 : i32
      %add3A_162 = arith.addi %add3A_161, %mul3A_124 : i32
      %get3A_163 = arith.index_cast %add3A_162 : i32 to index
      %get3A_164 = tpu.vector_load %arg17[%get3A_163] {strides = array<i32>} : memref<2576xf32, #tpu.memory_space<vmem>>, vector<16xf32>,
      %add3A_165 = arith.addf %add3A_160, %get3A_164 : vector<16xf32>
      %add3A_166 = arith.constant 1449 : i32
      %add3A_167 = arith.addi %add3A_166, %mul3A_124 : i32
      %get3A_168 = arith.index_cast %add3A_167 : i32 to index
      %get3A_169 = tpu.vector_load %arg17[%get3A_168] {strides = array<i32>} : memref<2576xf32, #tpu.memory_space<vmem>>, vector<16xf32>,
      %add3A_170 = arith.addf %add3A_165, %get3A_169 : vector<16xf32>
      %add3A_171 = arith.constant 1610 : i32
      %add3A_172 = arith.addi %add3A_171, %mul3A_124 : i32
      %get3A_173 = arith.index_cast %add3A_172 : i32 to index
      %get3A_174 = tpu.vector_load %arg17[%get3A_173] {strides = array<i32>} : memref<2576xf32, #tpu.memory_space<vmem>>, vector<16xf32>,
      %add3A_175 = arith.addf %add3A_170, %get3A_174 : vector<16xf32>
      %add3A_176 = arith.constant 1771 : i32
      %add3A_177 = arith.addi %add3A_176, %mul3A_124 : i32
      %get3A_178 = arith.index_cast %add3A_177 : i32 to index
      %get3A_179 = tpu.vector_load %arg17[%get3A_178] {strides = array<i32>} : memref<2576xf32, #tpu.memory_space<vmem>>, vector<16xf32>,
      %add3A_180 = arith.addf %add3A_175, %get3A_179 : vector<16xf32>
      %add3A_181 = arith.constant 1932 : i32
      %add3A_182 = arith.addi %add3A_181, %mul3A_124 : i32
      %get3A_183 = arith.index_cast %add3A_182 : i32 to index
      %get3A_184 = tpu.vector_load %arg17[%get3A_183] {strides = array<i32>} : memref<2576xf32, #tpu.memory_space<vmem>>, vector<16xf32>,
      %add3A_185 = arith.addf %add3A_180, %get3A_184 : vector<16xf32>
      %add3A_186 = arith.constant 2093 : i32
      %add3A_187 = arith.addi %add3A_186, %mul3A_124 : i32
      %get3A_188 = arith.index_cast %add3A_187 : i32 to index
      %get3A_189 = tpu.vector_load %arg17[%get3A_188] {strides = array<i32>} : memref<2576xf32, #tpu.memory_space<vmem>>, vector<16xf32>,
      %add3A_190 = arith.addf %add3A_185, %get3A_189 : vector<16xf32>
      %add3A_191 = arith.constant 2254 : i32
      %add3A_192 = arith.addi %add3A_191, %mul3A_124 : i32
      %get3A_193 = arith.index_cast %add3A_192 : i32 to index
      %get3A_194 = tpu.vector_load %arg17[%get3A_193] {strides = array<i32>} : memref<2576xf32, #tpu.memory_space<vmem>>, vector<16xf32>,
      %add3A_195 = arith.addf %add3A_190, %get3A_194 : vector<16xf32>
      %add3A_196 = arith.constant 2415 : i32
      %add3A_197 = arith.addi %add3A_196, %mul3A_124 : i32
      %get3A_198 = arith.index_cast %add3A_197 : i32 to index
      %get3A_199 = tpu.vector_load %arg17[%get3A_198] {strides = array<i32>} : memref<2576xf32, #tpu.memory_space<vmem>>, vector<16xf32>,
      %add3A_200 = arith.addf %add3A_195, %get3A_199 : vector<16xf32>
      %neg3A = arith.constant 0.000000e+00 : f32
      %neg3A_201 = vector.broadcast %neg3A : f32 to vector<16xf32>
      %neg3A_202 = arith.subf %neg3A_201, %add3A_200 : vector<16xf32>
      %mul3A_203 = arith.constant 16 : i32
      %mul3A_204 = arith.muli %scan3A_122, %mul3A_203 : i32
      %add3A_205 = arith.constant 0 : i32
      %add3A_206 = arith.addi %add3A_205, %mul3A_204 : i32
      %swap3A = arith.index_cast %add3A_206 : i32 to index
      %swap3A_207 = tpu.vector_load %arg12[%swap3A] {strides = array<i32>} : memref<320xf32, #tpu.memory_space<vmem>>, vector<16xf32>,
      tpu.vector_store %arg12[%swap3A], %neg3A_202 {strides = array<i32>} : memref<320xf32, #tpu.memory_space<vmem>>, vector<16xf32>,
    }
    %scan3A_97 = arith.constant 10 : i32
    %dma_wait3A_98 = arith.constant 1 : i32
    %dma_wait3A_99 = arith.constant 160 : i32
    %dma_wait3A_100 = tpu.memref_slice %arg10[%dma_wait3A_99] : memref<320xi32, #tpu.memory_space<vmem>> -> memref<160xi32, #tpu.memory_space<vmem>>
    %dma_wait3A_101 = arith.constant 0 : i32
    %dma_wait3A_102 = arith.constant 0 : i32
    %dma_wait3A_103 = tpu.memref_slice %arg16[%dma_wait3A_101, %dma_wait3A_102] : memref<1000x128xf32, #tpu.memory_space<vmem_shared>> -> memref<1000x128xf32, #tpu.memory_space<vmem_shared>>
    %dma_wait3A_104 = tpu.memref_slice %arg13[%dma_wait3A_98] : memref<2x!tpu.dma_semaphore, #tpu.memory_space<semaphore_mem>> -> memref<1x!tpu.dma_semaphore, #tpu.memory_space<semaphore_mem>>
    %dma_wait3A_105 = tpu.memref_squeeze %dma_wait3A_104 : memref<1x!tpu.dma_semaphore, #tpu.memory_space<semaphore_mem>> -> memref<!tpu.dma_semaphore, #tpu.memory_space<semaphore_mem>>
    tpu.wait_indirect_dma semaphore(%dma_wait3A_105 : memref<!tpu.dma_semaphore, #tpu.memory_space<semaphore_mem>>) src(%dma_wait3A_103 : memref<1000x128xf32, #tpu.memory_space<vmem_shared>>) dst(%arg8 : memref<160x128xf32, #tpu.memory_space<vmem>>)
    %dma_wait3A_106 = arith.constant 1 : i32
    %dma_wait3A_107 = arith.constant 0 : i32
    %dma_wait3A_108 = tpu.memref_slice %arg3[%add3A_53, %dma_wait3A_107] : memref<16384x128xf32, #tpu.memory_space<hbm>> -> memref<160x128xf32, #tpu.memory_space<hbm>>
    %dma_wait3A_109 = tpu.memref_slice %arg18[%dma_wait3A_106] : memref<2x!tpu.dma_semaphore, #tpu.memory_space<semaphore_mem>> -> memref<1x!tpu.dma_semaphore, #tpu.memory_space<semaphore_mem>>
    %dma_wait3A_110 = tpu.memref_squeeze %dma_wait3A_109 : memref<1x!tpu.dma_semaphore, #tpu.memory_space<semaphore_mem>> -> memref<!tpu.dma_semaphore, #tpu.memory_space<semaphore_mem>>
    %dma_wait3A_111 = arith.constant 0 : i32
    %dma_wait3A_112 = tpu.memref_slice %arg3[%add3A_53, %dma_wait3A_111] : memref<16384x128xf32, #tpu.memory_space<hbm>> -> memref<160x128xf32, #tpu.memory_space<hbm>>
    tpu.wait_dma2 semaphore(%dma_wait3A_110 : memref<!tpu.dma_semaphore, #tpu.memory_space<semaphore_mem>>) src(%dma_wait3A_112 : memref<160x128xf32, #tpu.memory_space<hbm>>) dst(%arg15 : memref<160x128xf32, #tpu.memory_space<vmem>>)
    %parallel_loop3A_113 = arith.constant 0 : i32
    %parallel_loop3A_114 = arith.constant 160 : i32
    %parallel_loop3A_115 = arith.constant 1 : i32
    scf.for %parallel_loop3A_122 = %parallel_loop3A_113 to %parallel_loop3A_114 step %parallel_loop3A_115  : i32 {
      %parallel_loop3A_123 = arith.index_cast %parallel_loop3A_122 : i32 to index
      %parallel_loop3A_124 = arith.constant 0 : index
      %parallel_loop3A_125 = tpu.vector_load %arg8[%parallel_loop3A_123, %parallel_loop3A_124] {strides = array<i32>} : memref<160x128xf32, #tpu.memory_space<vmem>>, vector<16xf32>,
      %parallel_loop3A_126 = arith.index_cast %parallel_loop3A_122 : i32 to index
      %parallel_loop3A_127 = arith.constant 0 : index
      %parallel_loop3A_128 = tpu.vector_load %arg15[%parallel_loop3A_126, %parallel_loop3A_127] {strides = array<i32>} : memref<160x128xf32, #tpu.memory_space<vmem>>, vector<16xf32>,
      %parallel_loop3A_129 = arith.subf %parallel_loop3A_125, %parallel_loop3A_128 : vector<16xf32>
      %parallel_loop3A_130 = math.absf %parallel_loop3A_129 : vector<16xf32>
      %parallel_loop3A_131 = arith.index_cast %parallel_loop3A_122 : i32 to index
      %parallel_loop3A_132 = arith.constant 16 : index
      %parallel_loop3A_133 = tpu.vector_load %arg8[%parallel_loop3A_131, %parallel_loop3A_132] {strides = array<i32>} : memref<160x128xf32, #tpu.memory_space<vmem>>, vector<16xf32>,
      %parallel_loop3A_134 = arith.index_cast %parallel_loop3A_122 : i32 to index
      %parallel_loop3A_135 = arith.constant 16 : index
      %parallel_loop3A_136 = tpu.vector_load %arg15[%parallel_loop3A_134, %parallel_loop3A_135] {strides = array<i32>} : memref<160x128xf32, #tpu.memory_space<vmem>>, vector<16xf32>,
      %parallel_loop3A_137 = arith.subf %parallel_loop3A_133, %parallel_loop3A_136 : vector<16xf32>
      %parallel_loop3A_138 = math.absf %parallel_loop3A_137 : vector<16xf32>
      %parallel_loop3A_139 = arith.index_cast %parallel_loop3A_122 : i32 to index
      %parallel_loop3A_140 = arith.constant 32 : index
      %parallel_loop3A_141 = tpu.vector_load %arg8[%parallel_loop3A_139, %parallel_loop3A_140] {strides = array<i32>} : memref<160x128xf32, #tpu.memory_space<vmem>>, vector<16xf32>,
      %parallel_loop3A_142 = arith.index_cast %parallel_loop3A_122 : i32 to index
      %parallel_loop3A_143 = arith.constant 32 : index
      %parallel_loop3A_144 = tpu.vector_load %arg15[%parallel_loop3A_142, %parallel_loop3A_143] {strides = array<i32>} : memref<160x128xf32, #tpu.memory_space<vmem>>, vector<16xf32>,
      %parallel_loop3A_145 = arith.subf %parallel_loop3A_141, %parallel_loop3A_144 : vector<16xf32>
      %parallel_loop3A_146 = math.absf %parallel_loop3A_145 : vector<16xf32>
      %parallel_loop3A_147 = arith.index_cast %parallel_loop3A_122 : i32 to index
      %parallel_loop3A_148 = arith.constant 48 : index
      %parallel_loop3A_149 = tpu.vector_load %arg8[%parallel_loop3A_147, %parallel_loop3A_148] {strides = array<i32>} : memref<160x128xf32, #tpu.memory_space<vmem>>, vector<16xf32>,
      %parallel_loop3A_150 = arith.index_cast %parallel_loop3A_122 : i32 to index
      %parallel_loop3A_151 = arith.constant 48 : index
      %parallel_loop3A_152 = tpu.vector_load %arg15[%parallel_loop3A_150, %parallel_loop3A_151] {strides = array<i32>} : memref<160x128xf32, #tpu.memory_space<vmem>>, vector<16xf32>,
      %parallel_loop3A_153 = arith.subf %parallel_loop3A_149, %parallel_loop3A_152 : vector<16xf32>
      %parallel_loop3A_154 = math.absf %parallel_loop3A_153 : vector<16xf32>
      %parallel_loop3A_155 = arith.index_cast %parallel_loop3A_122 : i32 to index
      %parallel_loop3A_156 = arith.constant 64 : index
      %parallel_loop3A_157 = tpu.vector_load %arg8[%parallel_loop3A_155, %parallel_loop3A_156] {strides = array<i32>} : memref<160x128xf32, #tpu.memory_space<vmem>>, vector<16xf32>,
      %parallel_loop3A_158 = arith.index_cast %parallel_loop3A_122 : i32 to index
      %parallel_loop3A_159 = arith.constant 64 : index
      %parallel_loop3A_160 = tpu.vector_load %arg15[%parallel_loop3A_158, %parallel_loop3A_159] {strides = array<i32>} : memref<160x128xf32, #tpu.memory_space<vmem>>, vector<16xf32>,
      %parallel_loop3A_161 = arith.subf %parallel_loop3A_157, %parallel_loop3A_160 : vector<16xf32>
      %parallel_loop3A_162 = math.absf %parallel_loop3A_161 : vector<16xf32>
      %parallel_loop3A_163 = arith.index_cast %parallel_loop3A_122 : i32 to index
      %parallel_loop3A_164 = arith.constant 80 : index
      %parallel_loop3A_165 = tpu.vector_load %arg8[%parallel_loop3A_163, %parallel_loop3A_164] {strides = array<i32>} : memref<160x128xf32, #tpu.memory_space<vmem>>, vector<16xf32>,
      %parallel_loop3A_166 = arith.index_cast %parallel_loop3A_122 : i32 to index
      %parallel_loop3A_167 = arith.constant 80 : index
      %parallel_loop3A_168 = tpu.vector_load %arg15[%parallel_loop3A_166, %parallel_loop3A_167] {strides = array<i32>} : memref<160x128xf32, #tpu.memory_space<vmem>>, vector<16xf32>,
      %parallel_loop3A_169 = arith.subf %parallel_loop3A_165, %parallel_loop3A_168 : vector<16xf32>
      %parallel_loop3A_170 = math.absf %parallel_loop3A_169 : vector<16xf32>
      %parallel_loop3A_171 = arith.index_cast %parallel_loop3A_122 : i32 to index
      %parallel_loop3A_172 = arith.constant 96 : index
      %parallel_loop3A_173 = tpu.vector_load %arg8[%parallel_loop3A_171, %parallel_loop3A_172] {strides = array<i32>} : memref<160x128xf32, #tpu.memory_space<vmem>>, vector<16xf32>,
      %parallel_loop3A_174 = arith.index_cast %parallel_loop3A_122 : i32 to index
      %parallel_loop3A_175 = arith.constant 96 : index
      %parallel_loop3A_176 = tpu.vector_load %arg15[%parallel_loop3A_174, %parallel_loop3A_175] {strides = array<i32>} : memref<160x128xf32, #tpu.memory_space<vmem>>, vector<16xf32>,
      %parallel_loop3A_177 = arith.subf %parallel_loop3A_173, %parallel_loop3A_176 : vector<16xf32>
      %parallel_loop3A_178 = math.absf %parallel_loop3A_177 : vector<16xf32>
      %parallel_loop3A_179 = arith.index_cast %parallel_loop3A_122 : i32 to index
      %parallel_loop3A_180 = arith.constant 112 : index
      %parallel_loop3A_181 = tpu.vector_load %arg8[%parallel_loop3A_179, %parallel_loop3A_180] {strides = array<i32>} : memref<160x128xf32, #tpu.memory_space<vmem>>, vector<16xf32>,
      %parallel_loop3A_182 = arith.index_cast %parallel_loop3A_122 : i32 to index
      %parallel_loop3A_183 = arith.constant 112 : index
      %parallel_loop3A_184 = tpu.vector_load %arg15[%parallel_loop3A_182, %parallel_loop3A_183] {strides = array<i32>} : memref<160x128xf32, #tpu.memory_space<vmem>>, vector<16xf32>,
      %parallel_loop3A_185 = arith.subf %parallel_loop3A_181, %parallel_loop3A_184 : vector<16xf32>
      %parallel_loop3A_186 = math.absf %parallel_loop3A_185 : vector<16xf32>
      %parallel_loop3A_187 = arith.addf %parallel_loop3A_130, %parallel_loop3A_138 : vector<16xf32>
      %parallel_loop3A_188 = arith.addf %parallel_loop3A_146, %parallel_loop3A_154 : vector<16xf32>
      %parallel_loop3A_189 = arith.addf %parallel_loop3A_162, %parallel_loop3A_170 : vector<16xf32>
      %parallel_loop3A_190 = arith.addf %parallel_loop3A_178, %parallel_loop3A_186 : vector<16xf32>
      %parallel_loop3A_191 = arith.addf %parallel_loop3A_187, %parallel_loop3A_188 : vector<16xf32>
      %parallel_loop3A_192 = arith.addf %parallel_loop3A_189, %parallel_loop3A_190 : vector<16xf32>
      %parallel_loop3A_193 = arith.addf %parallel_loop3A_191, %parallel_loop3A_192 : vector<16xf32>
      %parallel_loop3A_194 = vector.broadcast %parallel_loop3A_122 : i32 to vector<16xi32>
      %parallel_loop3A_195 = arith.addi %mul3A_5, %parallel_loop3A_194 : vector<16xi32>
      tpu.vector_store_idx %arg17[%parallel_loop3A_195], %parallel_loop3A_193 : memref<2576xf32, #tpu.memory_space<vmem>>[vector<16xi32>], vector<16xf32>,
    } {sc.loop_unroll_factor = 4 : i64, sc.parallel_access}
    %scan3A_116 = arith.constant 0 : i32
    %scan3A_117 = arith.constant 0 : i32
    %scan3A_118 = arith.constant 10 : i32
    %scan3A_119 = arith.addi %scan3A_117, %scan3A_118 : i32
    %scan3A_120 = arith.constant 1 : i32
    scf.for %scan3A_122 = %scan3A_117 to %scan3A_119 step %scan3A_120  : i32 {
      %mul3A_123 = arith.constant 16 : i32
      %mul3A_124 = arith.muli %scan3A_122, %mul3A_123 : i32
      %get3A = arith.index_cast %mul3A_124 : i32 to index
      %get3A_125 = tpu.vector_load %arg17[%get3A] {strides = array<i32>} : memref<2576xf32, #tpu.memory_space<vmem>>, vector<16xf32>,
      %add3A_126 = arith.constant 161 : i32
      %add3A_127 = arith.addi %add3A_126, %mul3A_124 : i32
      %get3A_128 = arith.index_cast %add3A_127 : i32 to index
      %get3A_129 = tpu.vector_load %arg17[%get3A_128] {strides = array<i32>} : memref<2576xf32, #tpu.memory_space<vmem>>, vector<16xf32>,
      %add3A_130 = arith.addf %get3A_125, %get3A_129 : vector<16xf32>
      %add3A_131 = arith.constant 322 : i32
      %add3A_132 = arith.addi %add3A_131, %mul3A_124 : i32
      %get3A_133 = arith.index_cast %add3A_132 : i32 to index
      %get3A_134 = tpu.vector_load %arg17[%get3A_133] {strides = array<i32>} : memref<2576xf32, #tpu.memory_space<vmem>>, vector<16xf32>,
      %add3A_135 = arith.addf %add3A_130, %get3A_134 : vector<16xf32>
      %add3A_136 = arith.constant 483 : i32
      %add3A_137 = arith.addi %add3A_136, %mul3A_124 : i32
      %get3A_138 = arith.index_cast %add3A_137 : i32 to index
      %get3A_139 = tpu.vector_load %arg17[%get3A_138] {strides = array<i32>} : memref<2576xf32, #tpu.memory_space<vmem>>, vector<16xf32>,
      %add3A_140 = arith.addf %add3A_135, %get3A_139 : vector<16xf32>
      %add3A_141 = arith.constant 644 : i32
      %add3A_142 = arith.addi %add3A_141, %mul3A_124 : i32
      %get3A_143 = arith.index_cast %add3A_142 : i32 to index
      %get3A_144 = tpu.vector_load %arg17[%get3A_143] {strides = array<i32>} : memref<2576xf32, #tpu.memory_space<vmem>>, vector<16xf32>,
      %add3A_145 = arith.addf %add3A_140, %get3A_144 : vector<16xf32>
      %add3A_146 = arith.constant 805 : i32
      %add3A_147 = arith.addi %add3A_146, %mul3A_124 : i32
      %get3A_148 = arith.index_cast %add3A_147 : i32 to index
      %get3A_149 = tpu.vector_load %arg17[%get3A_148] {strides = array<i32>} : memref<2576xf32, #tpu.memory_space<vmem>>, vector<16xf32>,
      %add3A_150 = arith.addf %add3A_145, %get3A_149 : vector<16xf32>
      %add3A_151 = arith.constant 966 : i32
      %add3A_152 = arith.addi %add3A_151, %mul3A_124 : i32
      %get3A_153 = arith.index_cast %add3A_152 : i32 to index
      %get3A_154 = tpu.vector_load %arg17[%get3A_153] {strides = array<i32>} : memref<2576xf32, #tpu.memory_space<vmem>>, vector<16xf32>,
      %add3A_155 = arith.addf %add3A_150, %get3A_154 : vector<16xf32>
      %add3A_156 = arith.constant 1127 : i32
      %add3A_157 = arith.addi %add3A_156, %mul3A_124 : i32
      %get3A_158 = arith.index_cast %add3A_157 : i32 to index
      %get3A_159 = tpu.vector_load %arg17[%get3A_158] {strides = array<i32>} : memref<2576xf32, #tpu.memory_space<vmem>>, vector<16xf32>,
      %add3A_160 = arith.addf %add3A_155, %get3A_159 : vector<16xf32>
      %add3A_161 = arith.constant 1288 : i32
      %add3A_162 = arith.addi %add3A_161, %mul3A_124 : i32
      %get3A_163 = arith.index_cast %add3A_162 : i32 to index
      %get3A_164 = tpu.vector_load %arg17[%get3A_163] {strides = array<i32>} : memref<2576xf32, #tpu.memory_space<vmem>>, vector<16xf32>,
      %add3A_165 = arith.addf %add3A_160, %get3A_164 : vector<16xf32>
      %add3A_166 = arith.constant 1449 : i32
      %add3A_167 = arith.addi %add3A_166, %mul3A_124 : i32
      %get3A_168 = arith.index_cast %add3A_167 : i32 to index
      %get3A_169 = tpu.vector_load %arg17[%get3A_168] {strides = array<i32>} : memref<2576xf32, #tpu.memory_space<vmem>>, vector<16xf32>,
      %add3A_170 = arith.addf %add3A_165, %get3A_169 : vector<16xf32>
      %add3A_171 = arith.constant 1610 : i32
      %add3A_172 = arith.addi %add3A_171, %mul3A_124 : i32
      %get3A_173 = arith.index_cast %add3A_172 : i32 to index
      %get3A_174 = tpu.vector_load %arg17[%get3A_173] {strides = array<i32>} : memref<2576xf32, #tpu.memory_space<vmem>>, vector<16xf32>,
      %add3A_175 = arith.addf %add3A_170, %get3A_174 : vector<16xf32>
      %add3A_176 = arith.constant 1771 : i32
      %add3A_177 = arith.addi %add3A_176, %mul3A_124 : i32
      %get3A_178 = arith.index_cast %add3A_177 : i32 to index
      %get3A_179 = tpu.vector_load %arg17[%get3A_178] {strides = array<i32>} : memref<2576xf32, #tpu.memory_space<vmem>>, vector<16xf32>,
      %add3A_180 = arith.addf %add3A_175, %get3A_179 : vector<16xf32>
      %add3A_181 = arith.constant 1932 : i32
      %add3A_182 = arith.addi %add3A_181, %mul3A_124 : i32
      %get3A_183 = arith.index_cast %add3A_182 : i32 to index
      %get3A_184 = tpu.vector_load %arg17[%get3A_183] {strides = array<i32>} : memref<2576xf32, #tpu.memory_space<vmem>>, vector<16xf32>,
      %add3A_185 = arith.addf %add3A_180, %get3A_184 : vector<16xf32>
      %add3A_186 = arith.constant 2093 : i32
      %add3A_187 = arith.addi %add3A_186, %mul3A_124 : i32
      %get3A_188 = arith.index_cast %add3A_187 : i32 to index
      %get3A_189 = tpu.vector_load %arg17[%get3A_188] {strides = array<i32>} : memref<2576xf32, #tpu.memory_space<vmem>>, vector<16xf32>,
      %add3A_190 = arith.addf %add3A_185, %get3A_189 : vector<16xf32>
      %add3A_191 = arith.constant 2254 : i32
      %add3A_192 = arith.addi %add3A_191, %mul3A_124 : i32
      %get3A_193 = arith.index_cast %add3A_192 : i32 to index
      %get3A_194 = tpu.vector_load %arg17[%get3A_193] {strides = array<i32>} : memref<2576xf32, #tpu.memory_space<vmem>>, vector<16xf32>,
      %add3A_195 = arith.addf %add3A_190, %get3A_194 : vector<16xf32>
      %add3A_196 = arith.constant 2415 : i32
      %add3A_197 = arith.addi %add3A_196, %mul3A_124 : i32
      %get3A_198 = arith.index_cast %add3A_197 : i32 to index
      %get3A_199 = tpu.vector_load %arg17[%get3A_198] {strides = array<i32>} : memref<2576xf32, #tpu.memory_space<vmem>>, vector<16xf32>,
      %add3A_200 = arith.addf %add3A_195, %get3A_199 : vector<16xf32>
      %neg3A = arith.constant 0.000000e+00 : f32
      %neg3A_201 = vector.broadcast %neg3A : f32 to vector<16xf32>
      %neg3A_202 = arith.subf %neg3A_201, %add3A_200 : vector<16xf32>
      %mul3A_203 = arith.constant 16 : i32
      %mul3A_204 = arith.muli %scan3A_122, %mul3A_203 : i32
      %add3A_205 = arith.constant 160 : i32
      %add3A_206 = arith.addi %add3A_205, %mul3A_204 : i32
      %swap3A = arith.index_cast %add3A_206 : i32 to index
      %swap3A_207 = tpu.vector_load %arg12[%swap3A] {strides = array<i32>} : memref<320xf32, #tpu.memory_space<vmem>>, vector<16xf32>,
      tpu.vector_store %arg12[%swap3A], %neg3A_202 {strides = array<i32>} : memref<320xf32, #tpu.memory_space<vmem>>, vector<16xf32>,
    }
    %scan3A_121 = arith.constant 10 : i32
    "tpu.region"() ({
      %run_scoped3A = tpu.sem_alloc : memref<!tpu.dma_semaphore, #tpu.memory_space<semaphore_mem>>
      %dma_start3A_122 = tpu.memref_slice %arg6[%mul3A_2] : memref<16384xf32, #tpu.memory_space<hbm>> -> memref<320xf32, #tpu.memory_space<hbm>>
      %dma_start3A_123 = tpu.memref_slice %arg6[%mul3A_2] : memref<16384xf32, #tpu.memory_space<hbm>> -> memref<320xf32, #tpu.memory_space<hbm>>
      tpu.enqueue_dma source(%arg12 : memref<320xf32, #tpu.memory_space<vmem>>) target(%dma_start3A_123 : memref<320xf32, #tpu.memory_space<hbm>>) target_semaphore(%run_scoped3A : memref<!tpu.dma_semaphore, #tpu.memory_space<semaphore_mem>>)
      %dma_wait3A_124 = tpu.memref_slice %arg6[%mul3A_2] : memref<16384xf32, #tpu.memory_space<hbm>> -> memref<320xf32, #tpu.memory_space<hbm>>
      %dma_wait3A_125 = tpu.memref_slice %arg6[%mul3A_2] : memref<16384xf32, #tpu.memory_space<hbm>> -> memref<320xf32, #tpu.memory_space<hbm>>
      tpu.wait_dma2 semaphore(%run_scoped3A : memref<!tpu.dma_semaphore, #tpu.memory_space<semaphore_mem>>) src(%arg12 : memref<320xf32, #tpu.memory_space<vmem>>) dst(%dma_wait3A_125 : memref<320xf32, #tpu.memory_space<hbm>>)
      tpu.yield
    }) : () -> ()
    return
  }
}

module attributes {stable_mosaic.version = 14 : i64} {
  func.func @body(%arg0: i32, %arg1: memref<1024x128xf32, #tpu.memory_space<vmem>>, %arg2: memref<1024x128xf32, #tpu.memory_space<vmem>>, %arg3: memref<1x1x1024xi32, #tpu.memory_space<vmem>>, %arg4: memref<1000x128xf32, #tpu.memory_space<vmem>>, %arg5: memref<1x1x1024xf32, #tpu.memory_space<vmem>>) attributes {dimension_semantics = [#tpu.dimension_semantics<arbitrary>], iteration_bounds = array<i64: 6>, scalar_prefetch = 0 : i64, scratch_operands = 0 : i64, tpu.core_type = #tpu.core_type<tc>, window_params = [{transform_indices = @transform_0, window_bounds = array<i64: 1024, 128>}, {transform_indices = @transform_1, window_bounds = array<i64: 1024, 128>}, {transform_indices = @transform_2, window_bounds = array<i64: 1, 1, 1024>}, {pipeline_mode = #tpu.pipeline_mode<synchronous>, transform_indices = @transform_3, window_bounds = array<i64: 1000, 128>}, {transform_indices = @transform_4, window_bounds = array<i64: 1, 1, 1024>}]} {
    %get3A = arith.constant 0 : index
    %get3A_0 = arith.constant 0 : index
    %get3A_1 = arith.constant 0 : index
    %get3A_2 = vector.load %arg3[%get3A, %get3A_0, %get3A_1] : memref<1x1x1024xi32, #tpu.memory_space<vmem>>, vector<1x1x1024xi32>
    %get3A_3 = vector.shape_cast %get3A_2 : vector<1x1x1024xi32> to vector<1024xi32>
    %iota3A = tpu.iota {dimensions = array<i32: 1>} : vector<1024x1000xi32>
    %broadcast_in_dim3A = vector.shape_cast %get3A_3 : vector<1024xi32> to vector<1024x1xi32>
    %eq3A = vector.broadcast %broadcast_in_dim3A : vector<1024x1xi32> to vector<1024x1000xi32>
    %eq3A_4 = arith.cmpi eq, %eq3A, %iota3A : vector<1024x1000xi32>
    %convert_element_type3A = arith.extui %eq3A_4 : vector<1024x1000xi1> to vector<1024x1000xi32>
    %convert_element_type3A_5 = arith.sitofp %convert_element_type3A : vector<1024x1000xi32> to vector<1024x1000xf32>
    %convert_element_type3A_6 = arith.truncf %convert_element_type3A_5 : vector<1024x1000xf32> to vector<1024x1000xbf16>
    %get3A_7 = arith.constant 0 : index
    %get3A_8 = arith.constant 0 : index
    %get3A_9 = vector.load %arg4[%get3A_7, %get3A_8] : memref<1000x128xf32, #tpu.memory_space<vmem>>, vector<1000x128xf32>
    %convert_element_type3A_10 = arith.truncf %get3A_9 : vector<1000x128xf32> to vector<1000x128xbf16>
    %dot_general3A = arith.constant dense<0.000000e+00> : vector<1024x128xf32>
    %dot_general3A_11 = tpu.matmul %convert_element_type3A_6, %convert_element_type3A_10, %dot_general3A {dimension_numbers = #tpu.dot_dimension_numbers<[1], [0], [0], [1], [0, 0, 1, 1], [], []>, transpose_lhs_hint = false} : vector<1024x1000xbf16>, vector<1000x128xbf16>, vector<1024x128xf32> -> vector<1024x128xf32>
    %get3A_12 = arith.constant 0 : index
    %get3A_13 = arith.constant 0 : index
    %get3A_14 = vector.load %arg1[%get3A_12, %get3A_13] : memref<1024x128xf32, #tpu.memory_space<vmem>>, vector<1024x128xf32>
    %add3A = arith.addf %get3A_14, %dot_general3A_11 : vector<1024x128xf32>
    %get3A_15 = arith.constant 0 : index
    %get3A_16 = arith.constant 0 : index
    %get3A_17 = vector.load %arg2[%get3A_15, %get3A_16] : memref<1024x128xf32, #tpu.memory_space<vmem>>, vector<1024x128xf32>
    %sub3A = arith.subf %add3A, %get3A_17 : vector<1024x128xf32>
    %abs3A = math.absf %sub3A : vector<1024x128xf32>
    %reduce_sum3A = arith.constant dense<0.000000e+00> : vector<1024xf32>
    %reduce_sum3A_18 = vector.multi_reduction <add>, %abs3A, %reduce_sum3A [1] : vector<1024x128xf32> to vector<1024xf32>
    %neg3A = arith.constant 0.000000e+00 : f32
    %neg3A_19 = vector.broadcast %neg3A : f32 to vector<1024xf32>
    %neg3A_20 = arith.subf %neg3A_19, %reduce_sum3A_18 : vector<1024xf32>
    %swap3A = arith.constant 0 : index
    %swap3A_21 = arith.constant 0 : index
    %swap3A_22 = arith.constant 0 : index
    %swap3A_23 = vector.load %arg5[%swap3A, %swap3A_21, %swap3A_22] : memref<1x1x1024xf32, #tpu.memory_space<vmem>>, vector<1x1x1024xf32>
    %swap3A_24 = vector.shape_cast %swap3A_23 : vector<1x1x1024xf32> to vector<1024xf32>
    %swap3A_25 = vector.shape_cast %neg3A_20 : vector<1024xf32> to vector<1x1x1024xf32>
    tpu.vector_store %arg5[%swap3A, %swap3A_21, %swap3A_22], %swap3A_25 {strides = array<i32>} : memref<1x1x1024xf32, #tpu.memory_space<vmem>>, vector<1x1x1024xf32>,
    return
  }
  func.func @transform_0(%arg0: i32) -> (i32, i32) {
    %add3A = arith.constant 10 : i32
    %add3A_0 = arith.addi %arg0, %add3A : i32
    %c0_i32 = arith.constant 0 : i32
    %c0_i32_1 = arith.constant 0 : i32
    return %add3A_0, %c0_i32 : i32, i32
  }
  func.func @transform_1(%arg0: i32) -> (i32, i32) {
    %add3A = arith.constant 10 : i32
    %add3A_0 = arith.addi %arg0, %add3A : i32
    %c0_i32 = arith.constant 0 : i32
    %c0_i32_1 = arith.constant 0 : i32
    return %add3A_0, %c0_i32 : i32, i32
  }
  func.func @transform_2(%arg0: i32) -> (i32, i32, i32) {
    %add3A = arith.constant 10 : i32
    %add3A_0 = arith.addi %arg0, %add3A : i32
    %c0_i32 = arith.constant 0 : i32
    %c0_i32_1 = arith.constant 0 : i32
    %c0_i32_2 = arith.constant 0 : i32
    return %add3A_0, %c0_i32, %c0_i32_1 : i32, i32, i32
  }
  func.func @transform_3(%arg0: i32) -> (i32, i32) {
    %c0_i32 = arith.constant 0 : i32
    %c0_i32_0 = arith.constant 0 : i32
    %c0_i32_1 = arith.constant 0 : i32
    return %c0_i32, %c0_i32_0 : i32, i32
  }
  func.func @transform_4(%arg0: i32) -> (i32, i32, i32) {
    %c0_i32 = arith.constant 0 : i32
    %c0_i32_0 = arith.constant 0 : i32
    %c0_i32_1 = arith.constant 0 : i32
    return %arg0, %c0_i32, %c0_i32_0 : i32, i32, i32
  }
}

</mosaic_0001>

<sc_bundles>
// kernel: kernel.4.cloned.1.call-start
scs
__scs_entry_jumppad:
0x0: {  	(pc) =	sbr.rel $0x88, $3  }
0x1: {  	(tag) =	ssettag $0x0;
	lr =	simm.s32 $0x1  }
0x2: {  	[smem:$0x3F9D] =	sst lr;
	_ =	strace $0xD0000000  }
0x3: {  	_ = 	snop  }
0x4: {  	_ = 	snop  }
0x5: {  	_ = 	snop  }
0x6: {  	_ = 	snop  }
0x7: {  	_ = 	snop  }
__scs_overlays_trampoline_lowered:
0x8: {  	[smem:$0x3FAC] =	sst s0  }
0x9: {  	[smem:$0x3FAD] =	sst s1  }
0xa: {  	[smem:$0x3FAE] =	sst s2  }
0xb: {  	[smem:$0x3FAF] =	sst s3  }
0xc: {  	[smem:$0x3FB0] =	sst s4  }
0xd: {  	[smem:$0x3FB1] =	sst s5  }
0xe: {  	[smem:$0x3FB2] =	sst s6  }
0xf: {  	[smem:$0x3FB3] =	sst s7  }
0x10: {  	[smem:$0x3FB4] =	sst s8  }
0x11: {  	[smem:$0x3FB5] =	sst s9;
	s0 =	simm.s32 @!p0 $0x0  }
0x12: {  	s1 =	sld [smem:$0x3F9B];
	s0 =	simm.s32 @p0 $0x1  }
0x13: {  	[smem:$0x3FB6] =	sst s0;
	s0 =	simm.s32 @!p1 $0x0  }
0x14: {  	s2 =	sld [smem:$0x3F9A];
	s0 =	simm.s32 @p1 $0x1  }
0x15: {  	[smem:$0x3FB7] =	sst s0;
	s0 =	simm.s32 @!p2 $0x0  }
0x16: {  	s3 =	sld [smem:$0x3FDB];
	s0 =	simm.s32 @p2 $0x1  }
0x17: {  	s4 =	simm.s32 $0x1BF5;
	[smem:$0x3FB9] =	sst s0  }
0x18: {  	s0 =	sld [smem:$0x3F9C];
	_ =	swait.ge [sflag:s4], $0x0  }
0x19: {  	s7 =	sld [smem:$0x3F9D]  }
0x1a: {  	s8 =	sadd.s32 $0xFFFFE003, lr  }
0x1b: {  	s9 =	sadd.s32 $0xFFFFFEF7, lr;
	s5 =	simm.s32 $0xFFFFFFFF;
	p2 =	slt.u32 s8, $0xFFFFF086  }
0x1c: {  	p1 =	slt.u32 s9, $0xF7A;
	s5 =	simm.s32 @!p2 $0x0  }
0x1d: {  	s5 =	simm.s32 @p1 $0x1;
	p0 =	seq.s32 s7, s2  }
0x1e: {  	s7 =	smul.u32 @!p0 $0xF7A, s2;
	p2 =	seq.s32 @!p0 s5, $0x0  }
0x1f: {  	s9 =	smul.u32 $0xF7A, s1;
	s8 =	simm.s32 @!p0 $0x1BF5;
	p2 =	por !p2, p0  }
0x20: {  	[sflag:s8] =	ssyncset.s32 @!p0 $0xFFFFF086;
	s6 =	sadd.s32 @!p0 s3, s7;
	s7 =	simm.s32 @!p0 $0x108  }
0x21: {  	s3 =	sadd.s32 s3, s9;
	s6 =	sadd.s32 @!p0 $0x88, s6;
	s7 =	simm.s32 @p2 $0x1082  }
0x22: {  	[simem:s7], [sflag:s8] =	dma.local @!p0 [hbm:s6], $0xF7A  }
0x23: {  	s9 =	sor.u32 $0xD0000000, s2;
	s6 =	simm.s32 $0x108;
	_ =	swait.ge @!p0 [sflag:s8], $0x0  }
0x24: {  	s3 =	sadd.s32 $0x88, s3;
	s6 =	simm.s32 @!p1 $0x1082;
	[sflag:s4] =	ssyncset.s32 $0xFFFFF086  }
0x25: {  	[simem:s6], [sflag:s4] =	dma.local [hbm:s3], $0xF7A  }
0x26: {  	[smem:$0x3F9D] =	sst s1;
	(tag) =	ssettag s2;
	_ =	strace s9  }
0x27: {  	s1 =	sld [smem:$0x3FAD]  }
0x28: {  	s2 =	sld [smem:$0x3FAE]  }
0x29: {  	s4 =	sld [smem:$0x3FB0]  }
0x2a: {  	p0 =	seq.s32 s5, $0x0;
	s5 =	sld [smem:$0x3FB1]  }
0x2b: {  	s6 =	sld [smem:$0x3FB2]  }
0x2c: {  	s7 =	sld [smem:$0x3FB3]  }
0x2d: {  	s3 =	simm.s32 $0x108;
	s8 =	sld [smem:$0x3FB4]  }
0x2e: {  	s3 =	simm.s32 @!p0 $0x1082;
	s9 =	sld [smem:$0x3FB5]  }
0x2f: {  	lr =	sadd.s32 s0, s3;
	s0 =	sld [smem:$0x3FAC]  }
0x30: {  	s3 =	sld [smem:$0x3FAF]  }
0x31: {  	[smem:$0x3FB8] =	sst s10  }
0x32: {  	s10 =	sld [smem:$0x3FB6];
	_ =	sdelay $0x3  }
0x33: {  	p0 =	seq.s32 s10, $0x1;
	s10 =	sld [smem:$0x3FB8];
	_ =	sdelay $0x3  }
0x34: {  	[smem:$0x3FB8] =	sst s10  }
0x35: {  	s10 =	sld [smem:$0x3FB7];
	_ =	sdelay $0x3  }
0x36: {  	p1 =	seq.s32 s10, $0x1;
	s10 =	sld [smem:$0x3FB8];
	_ =	sdelay $0x3  }
0x37: {  	[smem:$0x3FB8] =	sst s10  }
0x38: {  	s10 =	sld [smem:$0x3FB9]  }
0x39: {  	_ = 	snop;
	(pc) =	sbr.ind lr, $3  }
0x3a: {  	_ = 	snop  }
0x3b: {  	_ = 	snop  }
0x3c: {  	p2 =	seq.s32 s10, $0x1;
	s10 =	sld [smem:$0x3FB8]  }
0x3d: {  	_ =	shalt  }
0x3e: {  	_ =	shalt  }
0x3f: {  	_ =	shalt  }
0x40: {  	_ =	shalt  }
0x41: {  	_ =	shalt  }
0x42: {  	_ =	shalt  }
0x43: {  	_ =	shalt  }
0x44: {  	_ =	shalt  }
0x45: {  	_ =	shalt  }
0x46: {  	_ =	shalt  }
0x47: {  	_ =	shalt  }
0x48: {  	_ =	shalt  }
0x49: {  	_ =	shalt  }
0x4a: {  	_ =	shalt  }
0x4b: {  	_ =	shalt  }
0x4c: {  	_ =	shalt  }
0x4d: {  	_ =	shalt  }
0x4e: {  	_ =	shalt  }
0x4f: {  	_ =	shalt  }
0x50: {  	_ =	shalt  }
0x51: {  	_ =	shalt  }
0x52: {  	_ =	shalt  }
0x53: {  	_ =	shalt  }
0x54: {  	_ =	shalt  }
0x55: {  	_ =	shalt  }
0x56: {  	_ =	shalt  }
0x57: {  	_ =	shalt  }
0x58: {  	_ =	shalt  }
0x59: {  	_ =	shalt  }
0x5a: {  	_ =	shalt  }
0x5b: {  	_ =	shalt  }
0x5c: {  	_ =	shalt  }
0x5d: {  	_ =	shalt  }
0x5e: {  	_ =	shalt  }
0x5f: {  	_ =	shalt  }
0x60: {  	_ =	shalt  }
0x61: {  	_ =	shalt  }
0x62: {  	_ =	shalt  }
0x63: {  	_ =	shalt  }
0x64: {  	_ =	shalt  }
0x65: {  	_ =	shalt  }
0x66: {  	_ =	shalt  }
0x67: {  	_ =	shalt  }
0x68: {  	_ =	shalt  }
0x69: {  	_ =	shalt  }
0x6a: {  	_ =	shalt  }
0x6b: {  	_ =	shalt  }
0x6c: {  	_ =	shalt  }
0x6d: {  	_ =	shalt  }
0x6e: {  	_ =	shalt  }
0x6f: {  	_ =	shalt  }
0x70: {  	_ =	shalt  }
0x71: {  	_ =	shalt  }
0x72: {  	_ =	shalt  }
0x73: {  	_ =	shalt  }
0x74: {  	_ =	shalt  }
0x75: {  	_ =	shalt  }
0x76: {  	_ =	shalt  }
0x77: {  	_ =	shalt  }
0x78: {  	_ =	shalt  }
0x79: {  	_ =	shalt  }
0x7a: {  	_ =	shalt  }
0x7b: {  	_ =	shalt  }
0x7c: {  	_ =	shalt  }
0x7d: {  	_ =	shalt  }
0x7e: {  	_ =	shalt  }
0x7f: {  	_ =	shalt  }
0x80: {  	_ =	shalt  }
0x81: {  	_ =	shalt  }
0x82: {  	_ =	shalt  }
0x83: {  	_ =	shalt  }
0x84: {  	_ =	shalt  }
0x85: {  	_ =	shalt  }
0x86: {  	_ =	shalt  }
0x87: {  	_ =	shalt  }
.Lfunc_end0:
.L_simem_size_0:
called_computation_lowered:
.L_overlay_start_0:
0x88: {  	s2 =	sld [smem:$0x3FD9]  }
0x89: {  	s3 =	sld [smem:$0x3FFE];
	_ =	sdelay $0x1  }
0x8a: {  	s1 =	srdreg.scid  }
0x8b: {  	s0 =	sand.u32 $0x1, s1  }
0x8c: {  	s18 =	sshll.u32 s0, $0xA;
	s2 =	sadd.s32 s3, s2  }
0x8d: {  	s2 =	sadd.s32 s2, s18  }
0x8e: {  	[smem:$0x3FC4] =	sst s2  }
0x8f: {  	_ = 	snop  }
0x90: {  	s2 =	sld [smem:$0x3FC9]  }
0x91: {  	s19 =	sld [smem:$0x3FC8]  }
0x92: {  	s4 =	sld [smem:$0x3FC7]  }
0x93: {  	s5 =	sld [smem:$0x3FC6]  }
0x94: {  	s6 =	sld [smem:$0x3FD0];
	(tm) =	ssettm $0x1  }
0x95: {  	s7 =	sld [smem:$0x3FFB];
	_ =	sdelay $0x3  }
0x96: {  	_ =	strace s7  }
0x97: {  	s7 =	sld [smem:$0x3FFC];
	_ =	sdelay $0x3  }
0x98: {  	_ =	strace s7  }
0x99: {  	s7 =	sld [smem:$0x3FFD];
	_ =	sdelay $0x3  }
0x9a: {  	_ =	strace s7  }
0x9b: {  	_ =	strace $0x8FFFFFFF  }
0x9c: {  	s20 =	sld [smem:$0x3FDB];
	_ =	sdelay $0x1  }
0x9d: {  	s8 =	simm.s32 $_scs_section_size  }
0x9e: {  	s9 =	simm.s32 $_size__tile_overlayer_lowered;
	s10 =	simm.s32 $_tile_overlayer_lowered  }
0x9f: {  	s23 =	simm.s32 $0x1BFF;
	s22 =	sshll.u32 s10, $0x1;
	s7 =	sadd.s32 s8, s20  }
0xa0: {  	s11 =	simm.s32 $0x0;
	s21 =	sshll.u32 s9, $0x1;
	s9 =	sadd.s32 s22, s7  }
0xa1: {  	[timem:s11], [sflag:s23] =	dma.local [hbm:s9], s21  }
0xa2: {  	_ =	swait.ge [sflag:s23], s21  }
0xa3: {  	s8 =	ssub.s32 $0x0, s21;
	[sflag:s23] =	ssyncset.done $0x0  }
0xa4: {  	[sflag:s23] =	ssyncadd.s32 s8;
	_ =	sdelay $0x1  }
0xa5: {  	s24 =	simm.s32 $0x1B8B  }
0xa6: {  	_ =	swait.ge [sflag:s24], $0x1  }
0xa7: {  	[sflag:s24] =	ssyncset.done $0x0  }
0xa8: {  	s25 =	simm.s32 $0x1B8E;
	[sflag:s24] =	ssyncadd.s32 $0xFFFFFFFF  }
0xa9: {  	s26 =	simm.s32 $execute0_lowered;
	[smem:$0x3FD2] =	sst s25  }
0xaa: {  	s8 =	sshll.u32 s26, $0x1;
	_ =	strace $0x80000046;
	[dreg:$0x1] =	wrdreg $0xFFFFFFFF  }
0xab: {  	s28 =	simm.s32 $_size_execute0_lowered;
	s7 =	sadd.s32 s7, s8;
	[dreg:$0x0] =	wrdreg $0x0  }
0xac: {  	s8 =	sshll.u32 s28, $0x1;
	[dreg:$0x2] =	wrdreg s7  }
0xad: {  	[dreg:$0x3] =	wrdreg s8  }
0xae: {  	[dreg:$0x4] =	wrdreg $0xC0  }
0xaf: {  	_ =	task [dreg:s11], $0x5FFFF  }
0xb0: {  	[dreg:$0x1] =	wrdreg $0xFFFFFFFF  }
0xb1: {  	[dreg:$0x0] =	wrdreg $0x60  }
0xb2: {  	[dreg:$0x2] =	wrdreg s2  }
0xb3: {  	[dreg:$0x3] =	wrdreg s19  }
0xb4: {  	[dreg:$0x4] =	wrdreg s4  }
0xb5: {  	[dreg:$0x5] =	wrdreg s5  }
0xb6: {  	[dreg:$0x6] =	wrdreg s6  }
0xb7: {  	[dreg:$0x7] =	wrdreg $0x143000  }
0xb8: {  	[dreg:$0x8] =	wrdreg $0x9  }
0xb9: {  	_ =	task.clear_ibuf [dreg:s11], $0x9FFFF;
	_ =	strace $0x90000046  }
0xba: {  	s29 =	simm.s32 $0x9;
	_ =	strace $0x80000048  }
0xbb: {  	_ =	swait.ge [sflag:s29], $0x1  }
0xbc: {  	[sflag:s29] =	ssyncadd.s32 $0xFFFFFFFF  }
0xbd: {  	_ =	strace $0x90000048  }
0xbe: {  	_ =	sfence  }
0xbf: {  	s30 =	sld [smem:$0x0];
	_ =	sdelay $0x2  }
0xc0: {  	s31 =	sshll.u32 s1, $0xD;
	s1 =	sshrl.u32 s1, $0x2  }
0xc1: {  	s3 =	sand.u32 $0x4000, s31;
	s1 =	sadd.s32 s1, s30  }
0xc2: {  	s0 =	sor.u32 s3, s0;
	s1 =	sshll.u32 s1, $0x11  }
0xc3: {  	s0 =	sor.u32 s1, s0  }
0xc4: {  	s0 =	sadd.s32 $0x8F2B, s0  }
0xc5: {  	[sflag:s0] =	ssyncadd.remote.s32 $0x1  }
0xc6: {  	_ =	sfence.sel $0xFFFF  }
0xc7: {  	[dreg:$0x0] =	wrdreg $0xFFFFFFFF;
	(pc) =	sbr.abs _section_cstart, $3  }
0xc8: {  	[dreg:$0x1] =	wrdreg $0xFFFFFFFF  }
0xc9: {  	_ =	task.clear_ibuf [dreg:s11], $0x2FFFF;
	_ =	strace $0x9FFFFFFF  }
0xca: {  	(tm) =	ssettm $0x7FFFFFFF  }
0xcb: {  	_ =	shalt  }
tec
execute0_lowered:
.L_overlay_start_1:
0x0: {  	(tag) =	ssettag $0x1  }
0x1: {  	s0 =	rddreg [dreg:$0x0]  }
0x2: {  	s1 =	rddreg [dreg:$0x1]  }
0x3: {  	s6 =	rddreg [dreg:$0x2]  }
0x4: {  	s9 =	rddreg [dreg:$0x4];
	s3 =	srdreg.scid  }
0x5: {  	s11 =	stileid.u32;
	s2 =	rddreg [dreg:$0x5]  }
0x6: {  	s14 =	simm.s32 $0x3;
	s15 =	simm.s32 $0x1;
	s16 =	simm.s32 $0xA0  }
0x7: {  	s17 =	simm.s32 $0x5000;
	s18 =	simm.s32 $0xF300;
	s19 =	simm.s32 $0x2  }
0x8: {  	s20 =	simm.s32 $0xA0A0;
	s21 =	simm.s32 $0x4;
	s22 =	simm.s32 $0x6  }
0x9: {  	s23 =	simm.s32 $0x16240;
	s24 =	simm.s32 $0x5;
	s25 =	simm.s32 $0x7  }
0xa: {  	s26 =	simm.s32 $0xA180;
	s4 =	sand.u32 $0x1, s3;
	s5 =	sshll.u32 s11, $0x1  }
0xb: {  	s28 =	simm.s32 $0x8;
	s29 =	simm.s32 $0x0;
	s5 =	sor.u32 s4, s5  }
0xc: {  	s3 =	simm.s32 $0x0;
	p0 =	sne.s32 s11, $0x0;
	s7 =	smul.u32 $0xA000, s5  }
0xd: {  	[smem:$0x7FF] =	sst s3;
	s4 =	ssub.s32 $0x2, s4;
	s10 =	smul.u32 $0x1400, s5  }
0xe: {  	_ =	strace $0x80000047;
	s8 =	sshrl.u32 s4, $0x1;
	s13 =	smul.u32 $0x28, s5  }
0xf: {  	s12 =	ssub.s32 s4, s8;
	s7 =	sshrl.u32 s7, $0x3;
	s4 =	sadd.s32 s0, s10  }
0x10: {  	s5 =	sadd.s32 s1, s10;
	s6 =	sadd.s32 s6, s13;
	s9 =	sadd.s32 s9, s13  }
0x11: {  	v0 =	vlaneseq.u32;
	s10 =	smax.u32 s12, $0x1;
	s12 =	simm.s32 $0xA000;
	s31 =	sadd.s32 $0xA00, s7  }
0x12: {  	v0 =	vmul.u32 $0xA1, v0;
	s13 =	sshrl.u32 @!p0 s2, $0x3;
	s7 =	sadd.s32 s0, s31;
	s8 =	sadd.s32 s1, s31  }
.LBB2_1:
0x13: {  	[tilespmem:s3], [sflag:$0x1] =	stream.linear.gather [hbm4b:s4+s3], $0x5000, $0x38;
	[tilespmem:$0x16CC0] =	vst v63  }
0x14: {  	s0 =	simm.s32 $0xA300  }
0x15: {  	[tilespmem:s0], [sflag:$0x6] =	stream.linear.gather [hbm4b:s5+s3], $0x5000, $0x38;
	[tilespmem:$0x16CC0] =	vst v63  }
0x16: {  	s1 =	rddreg [dreg:$0x3];
	s0 =	simm.s32 @!p0 $0x1C08  }
0x17: {  	[tilespmem:s12], [sflag:$0x3] =	stream.linear.gather [hbm4b:s6+s3], $0x140, $0x38;
	[tilespmem:$0x16CC0] =	vst v63  }
0x18: {  	[spmem:s13], [sflag:s0] =	dma.local @!p0 [hbm:s1], $0x3E80  }
0x19: {  	s0 =	simm.s32 @!p0 $0x8  }
0x1a: {  	_ =	swait.ge @!p0 [sflag:s0], $0x3E80  }
0x1b: {  	[sflag:s0] =	ssyncset.done @!p0 $0x0  }
0x1c: {  	[sflag:s0] =	ssyncadd.s32 @!p0 $0xFFFFC180  }
0x1d: {  	[bflag:$0x0] =	sbarrier.arrive $0xFFFF  }
0x1e: {  	_ =	swait.ge [sflag:s14], $0x140  }
0x1f: {  	[sflag:s14] =	ssyncset.done $0x0  }
0x20: {  	[sflag:s14] =	ssyncadd.s32 $0xFFFFFEC0  }
0x21: {  	_ =	swait.ge [sflag:s15], $0x5000  }
0x22: {  	[sflag:s15] =	ssyncset.done $0x0  }
0x23: {  	[sflag:s15] =	ssyncadd.s32 $0xFFFFB000  }
0x24: {  	[tilespmem:s3], [sflag:$0x4] =	stream.indirect.gather.add.f32 [spmem:s2], $0x80, s12, s16, $0xb8;
	[tilespmem:$0x16CC0] =	vst v63  }
0x25: {  	_ = 	snop  }
0x26: {  	[tilespmem:s17], [sflag:$0x2] =	stream.linear.gather [hbm4b:s7+s3], $0x5000, $0x38;
	[tilespmem:$0x16CC0] =	vst v63  }
0x27: {  	_ = 	snop  }
0x28: {  	[tilespmem:s18], [sflag:$0x7] =	stream.linear.gather [hbm4b:s8+s3], $0x5000, $0x38;
	[tilespmem:$0x16CC0] =	vst v63  }
0x29: {  	_ =	swait.ge [sflag:s19], $0x5000  }
0x2a: {  	[sflag:s19] =	ssyncset.done $0x0  }
0x2b: {  	[sflag:s19] =	ssyncadd.s32 $0xFFFFB000  }
0x2c: {  	[tilespmem:s17], [sflag:$0x5] =	stream.indirect.gather.add.f32 [spmem:s2], $0x80, s20, s16, $0xb8;
	[tilespmem:$0x16CC0] =	vst v63  }
0x2d: {  	_ =	swait.ge [sflag:s21], $0x5000  }
0x2e: {  	[sflag:s21] =	ssyncset.done $0x0  }
0x2f: {  	[sflag:s21] =	ssyncadd.s32 $0xFFFFB000  }
0x30: {  	_ =	swait.ge [sflag:s22], $0x5000  }
0x31: {  	[sflag:s22] =	ssyncset.done $0x0  }
0x32: {  	s31 =	simm.s32 $0x100;
	[sflag:s22] =	ssyncadd.s32 $0xFFFFB000  }
0x33: {  	s1 =	simm.s32 $0xA400;
	v4 =	vld [tilespmem:s31+$0x80]  }
0x34: {  	v5 =	vld [tilespmem:s1+$0x80]  }
0x35: {  	v6 =	vld [tilespmem:s31+$0x90]  }
0x36: {  	v7 =	vld [tilespmem:s1+$0x90]  }
0x37: {  	v8 =	vld [tilespmem:s31+$0xA0]  }
0x38: {  	v9 =	vld [tilespmem:s1+$0xA0]  }
0x39: {  	v10 =	vld [tilespmem:s31+$0xB0]  }
0x3a: {  	v11 =	vld [tilespmem:s1+$0xB0]  }
0x3b: {  	v2 =	vld [tilespmem:s31+$0xC0]  }
0x3c: {  	v12 =	vld [tilespmem:s1+$0xC0]  }
0x3d: {  	v3 =	vld [tilespmem:s31+$0xD0]  }
0x3e: {  	v14 =	vld [tilespmem:s1+$0xD0]  }
0x3f: {  	v13 =	vld [tilespmem:s31+$0xE0]  }
0x40: {  	v15 =	vld [tilespmem:s1+$0xE0]  }
0x41: {  	v16 =	vld [tilespmem:s31+$0xF0]  }
0x42: {  	v17 =	vld [tilespmem:s1+$0xF0]  }
0x43: {  	s30 =	simm.s32 $0x0;
	s0 =	simm.s32 $0x4;
	v1 =	vld [tilespmem:s1+$0xFFFFFF00]  }
.LBB2_2:
0x44: {  	p1 =	slt.u32 s0, $0x9C;
	v18 =	vld [tilespmem:s31+$0xFFFFFF10];
	v4 =	vsub.f32 v4, v5;
	v5 =	vsub.f32 v6, v7  }
0x45: {  	v7 =	vsub.f32 v8, v9;
	v8 =	vsub.f32 v10, v11;
	v6 =	vld [tilespmem:s1+$0xFFFFFF10]  }
0x46: {  	v2 =	vsub.f32 v2, v12;
	v3 =	vsub.f32 v3, v14;
	v9 =	vld [tilespmem:s31+$0xFFFFFF20]  }
0x47: {  	v11 =	vsub.f32 v13, v15;
	v4 =	vand.u32 $0x7FFFFFFF, v4;
	v10 =	vld [tilespmem:s1+$0xFFFFFF20];
	v12 =	vsub.f32 v16, v17  }
0x48: {  	v5 =	vand.u32 $0x7FFFFFFF, v5;
	v7 =	vand.u32 $0x7FFFFFFF, v7;
	v8 =	vand.u32 $0x7FFFFFFF, v8;
	v13 =	vld [tilespmem:s31+$0xFFFFFF30]  }
0x49: {  	v2 =	vand.u32 $0x7FFFFFFF, v2;
	v3 =	vand.u32 $0x7FFFFFFF, v3;
	v11 =	vand.u32 $0x7FFFFFFF, v11;
	v14 =	vld [tilespmem:s1+$0xFFFFFF30]  }
0x4a: {  	v4 =	vadd.f32 v5, v4;
	v5 =	vadd.f32 v8, v7;
	v12 =	vand.u32 $0x7FFFFFFF, v12;
	v15 =	vld [tilespmem:s31+$0xFFFFFF40]  }
0x4b: {  	s11 =	sadd.s32 $0x3, s30;
	v2 =	vadd.f32 v3, v2;
	v3 =	vadd.f32 v12, v11;
	v7 =	vld [tilespmem:s1+$0xFFFFFF40]  }
0x4c: {  	v6 =	vsub.f32 v18, v6;
	v8 =	vsub.f32 v9, v10;
	v9 =	vld [tilespmem:s31+$0xFFFFFF50];
	v10 =	vadd.s32 s11, v0  }
0x4d: {  	v4 =	vadd.f32 v5, v4;
	v3 =	vadd.f32 v3, v2;
	v11 =	vld [tilespmem:s1+$0xFFFFFF50]  }
0x4e: {  	v2 =	vand.u32 $0x7FFFFFFF, v6;
	v5 =	vand.u32 $0x7FFFFFFF, v8;
	v6 =	vsub.f32 v13, v14;
	v8 =	vld [tilespmem:s31+$0xFFFFFF60]  }
0x4f: {  	v4 =	vadd.f32 v3, v4;
	v12 =	vld [tilespmem:s1+$0xFFFFFF60]  }
0x50: {  	v3 =	vand.u32 $0x7FFFFFFF, v6;
	v6 =	vsub.f32 v15, v7;
	v7 =	vld [tilespmem:s31+$0xFFFFFF70]  }
0x51: {  	v13 =	vld [tilespmem:s1+$0xFFFFFF70];
	v3 =	vadd.f32 v3, v5;
	[tilespmem:v10+s23+$0x0] =	vst.idx.msk $0xffff, v4  }
0x52: {  	v4 =	vand.u32 $0x7FFFFFFF, v6;
	v5 =	vsub.f32 v9, v11;
	v6 =	vld [tilespmem:s31+$0xFFFFFF80]  }
0x53: {  	v9 =	vld [tilespmem:s1+$0xFFFFFF80]  }
0x54: {  	v5 =	vand.u32 $0x7FFFFFFF, v5;
	v8 =	vsub.f32 v8, v12;
	v10 =	vld [tilespmem:s31+$0xFFFFFF90]  }
0x55: {  	v4 =	vadd.f32 v5, v4;
	v5 =	vld [tilespmem:s1+$0xFFFFFF90]  }
0x56: {  	v8 =	vand.u32 $0x7FFFFFFF, v8;
	v7 =	vsub.f32 v7, v13;
	v11 =	vld [tilespmem:s31+$0xFFFFFFA0]  }
0x57: {  	v12 =	vld [tilespmem:s1+$0xFFFFFFA0]  }
0x58: {  	v7 =	vand.u32 $0x7FFFFFFF, v7;
	v6 =	vsub.f32 v6, v9;
	v9 =	vld [tilespmem:s31+$0xFFFFFFB0]  }
0x59: {  	v7 =	vadd.f32 v7, v8;
	v8 =	vld [tilespmem:s1+$0xFFFFFFB0]  }
0x5a: {  	v6 =	vand.u32 $0x7FFFFFFF, v6;
	v5 =	vsub.f32 v10, v5;
	v10 =	vld [tilespmem:s31+$0xFFFFFFC0]  }
0x5b: {  	v13 =	vadd.f32 v7, v4;
	v4 =	vld [tilespmem:s1+$0xFFFFFFC0]  }
0x5c: {  	v5 =	vand.u32 $0x7FFFFFFF, v5;
	v7 =	vsub.f32 v11, v12;
	v11 =	vld [tilespmem:s31+$0xFFFFFFD0]  }
0x5d: {  	v12 =	vld [tilespmem:s1+$0xFFFFFFD0];
	v5 =	vadd.f32 v5, v6  }
0x5e: {  	v6 =	vand.u32 $0x7FFFFFFF, v7;
	v7 =	vsub.f32 v9, v8;
	v8 =	vld [tilespmem:s31+$0xFFFFFFE0]  }
0x5f: {  	v9 =	vld [tilespmem:s1+$0xFFFFFFE0]  }
0x60: {  	v7 =	vand.u32 $0x7FFFFFFF, v7;
	v4 =	vsub.f32 v10, v4;
	v10 =	vld [tilespmem:s31+$0xFFFFFFF0]  }
0x61: {  	v14 =	vld [tilespmem:s1+$0xFFFFFFF0];
	v6 =	vadd.f32 v7, v6  }
0x62: {  	v4 =	vand.u32 $0x7FFFFFFF, v4;
	v7 =	vsub.f32 v11, v12;
	v11 =	vld [tilespmem:s31+$0x0]  }
0x63: {  	v5 =	vadd.f32 v6, v5;
	v6 =	vld [tilespmem:s1+$0x0]  }
0x64: {  	v7 =	vand.u32 $0x7FFFFFFF, v7;
	v8 =	vsub.f32 v8, v9;
	v9 =	vld [tilespmem:s31+$0x10]  }
0x65: {  	v4 =	vadd.f32 v7, v4;
	v7 =	vld [tilespmem:s1+$0x10]  }
0x66: {  	v8 =	vand.u32 $0x7FFFFFFF, v8;
	v10 =	vsub.f32 v10, v14;
	v12 =	vld [tilespmem:s31+$0x20]  }
0x67: {  	v14 =	vld [tilespmem:s1+$0x20]  }
0x68: {  	v10 =	vand.u32 $0x7FFFFFFF, v10;
	v6 =	vsub.f32 v11, v6;
	v11 =	vld [tilespmem:s31+$0x30]  }
0x69: {  	s11 =	sadd.s32 $0x1, s30;
	v8 =	vadd.f32 v10, v8;
	v10 =	vld [tilespmem:s1+$0x30]  }
0x6a: {  	v15 =	vadd.s32 s11, v0;
	v6 =	vand.u32 $0x7FFFFFFF, v6;
	v7 =	vsub.f32 v9, v7;
	v9 =	vld [tilespmem:s31+$0x40]  }
0x6b: {  	v4 =	vadd.f32 v8, v4;
	v8 =	vld [tilespmem:s1+$0x40]  }
0x6c: {  	v7 =	vand.u32 $0x7FFFFFFF, v7;
	v12 =	vsub.f32 v12, v14;
	v14 =	vld [tilespmem:s31+$0x50]  }
0x6d: {  	v4 =	vadd.f32 v4, v5;
	v5 =	vld [tilespmem:s1+$0x50];
	v6 =	vadd.f32 v7, v6  }
0x6e: {  	v7 =	vand.u32 $0x7FFFFFFF, v12;
	v10 =	vsub.f32 v11, v10;
	v11 =	vld [tilespmem:s31+$0x60]  }
0x6f: {  	[tilespmem:v15+s23+$0x0] =	vst.idx.msk $0xffff, v4;
	v12 =	vld [tilespmem:s1+$0x60]  }
0x70: {  	v4 =	vand.u32 $0x7FFFFFFF, v10;
	v8 =	vsub.f32 v9, v8;
	v9 =	vld [tilespmem:s31+$0x70]  }
0x71: {  	v10 =	vld [tilespmem:s1+$0x70];
	v7 =	vadd.f32 v4, v7  }
0x72: {  	v15 =	vld [tilespmem:s31+$0xFFFFFF00];
	v8 =	vand.u32 $0x7FFFFFFF, v8;
	v14 =	vsub.f32 v14, v5;
	s31 =	sadd.s32 $0x200, s31  }
0x73: {  	s1 =	sadd.s32 $0x200, s1;
	v4 =	vld [tilespmem:s31+$0x80];
	v16 =	vadd.f32 v7, v6  }
0x74: {  	v5 =	vld [tilespmem:s1+$0x80];
	v7 =	vand.u32 $0x7FFFFFFF, v14;
	v11 =	vsub.f32 v11, v12  }
0x75: {  	v6 =	vld [tilespmem:s31+$0x90];
	v12 =	vadd.f32 v7, v8  }
0x76: {  	v7 =	vld [tilespmem:s1+$0x90];
	v11 =	vand.u32 $0x7FFFFFFF, v11;
	v10 =	vsub.f32 v9, v10  }
0x77: {  	v8 =	vld [tilespmem:s31+$0xA0];
	v1 =	vsub.f32 v15, v1  }
0x78: {  	v9 =	vld [tilespmem:s1+$0xA0];
	v14 =	vand.u32 $0x7FFFFFFF, v10  }
0x79: {  	s11 =	sadd.s32 $0x2, s30;
	v10 =	vld [tilespmem:s31+$0xB0];
	v1 =	vand.u32 $0x7FFFFFFF, v1;
	v14 =	vadd.f32 v14, v11  }
0x7a: {  	v15 =	vadd.s32 s11, v0;
	v11 =	vld [tilespmem:s1+$0xB0];
	v1 =	vadd.f32 v2, v1  }
0x7b: {  	v17 =	vadd.s32 s30, v0;
	s30 =	smov.u32 s0;
	v2 =	vld [tilespmem:s31+$0xC0];
	v14 =	vadd.f32 v14, v12  }
0x7c: {  	v12 =	vld [tilespmem:s1+$0xC0];
	v1 =	vadd.f32 v3, v1  }
0x7d: {  	v3 =	vld [tilespmem:s31+$0xD0];
	v16 =	vadd.f32 v14, v16  }
0x7e: {  	v14 =	vld [tilespmem:s1+$0xD0];
	v1 =	vadd.f32 v13, v1  }
.Ltmp0:
0x7f: {  	v13 =	vld [tilespmem:s31+$0xE0];
	[tilespmem:v15+s23+$0x0] =	vst.idx.msk $0xffff, v16;
	(pc) =	sbr.rel @p1 .LBB2_2-.Ltmp0, $4  }
0x80: {  	v15 =	vld [tilespmem:s1+$0xE0];
	[tilespmem:v17+s23+$0x0] =	vst.idx.msk $0xffff, v1  }
0x81: {  	v16 =	vld [tilespmem:s31+$0xF0]  }
0x82: {  	v17 =	vld [tilespmem:s1+$0xF0]  }
0x83: {  	s0 =	sadd.s32 $0x4, s0;
	v1 =	vld [tilespmem:s1+$0xFFFFFF00]  }
0x84: {  	v18 =	vld [tilespmem:s31+$0xFFFFFF10]  }
0x85: {  	v19 =	vld [tilespmem:s1+$0xFFFFFF10]  }
0x86: {  	v20 =	vld [tilespmem:s31+$0xFFFFFF20]  }
0x87: {  	v21 =	vld [tilespmem:s1+$0xFFFFFF20]  }
0x88: {  	v22 =	vld [tilespmem:s31+$0xFFFFFF30]  }
0x89: {  	v23 =	vld [tilespmem:s1+$0xFFFFFF30]  }
0x8a: {  	v24 =	vld [tilespmem:s31+$0xFFFFFF40]  }
0x8b: {  	v25 =	vld [tilespmem:s1+$0xFFFFFF40]  }
0x8c: {  	v26 =	vld [tilespmem:s31+$0xFFFFFF50]  }
0x8d: {  	v27 =	vld [tilespmem:s1+$0xFFFFFF50]  }
0x8e: {  	v28 =	vld [tilespmem:s31+$0xFFFFFF60]  }
0x8f: {  	v29 =	vld [tilespmem:s1+$0xFFFFFF60]  }
0x90: {  	v30 =	vld [tilespmem:s31+$0xFFFFFF70]  }
0x91: {  	v31 =	vld [tilespmem:s1+$0xFFFFFF70]  }
0x92: {  	v32 =	vld [tilespmem:s31+$0xFFFFFF80]  }
0x93: {  	v33 =	vld [tilespmem:s1+$0xFFFFFF80]  }
0x94: {  	v34 =	vld [tilespmem:s31+$0xFFFFFF90]  }
0x95: {  	v35 =	vld [tilespmem:s1+$0xFFFFFF90]  }
0x96: {  	v36 =	vld [tilespmem:s31+$0xFFFFFFA0]  }
0x97: {  	v37 =	vld [tilespmem:s1+$0xFFFFFFA0]  }
0x98: {  	v4 =	vsub.f32 v4, v5;
	v5 =	vld [tilespmem:s31+$0xFFFFFFB0]  }
0x99: {  	v6 =	vsub.f32 v6, v7;
	v7 =	vsub.f32 v8, v9;
	v8 =	vld [tilespmem:s1+$0xFFFFFFB0]  }
0x9a: {  	v47 =	vsub.f32 v10, v11;
	v10 =	vld [tilespmem:s31+$0xFFFFFFC0]  }
0x9b: {  	v2 =	vsub.f32 v2, v12;
	v12 =	vld [tilespmem:s1+$0xFFFFFFC0]  }
0x9c: {  	v3 =	vsub.f32 v3, v14;
	v50 =	vld [tilespmem:s31+$0xFFFFFFD0]  }
0x9d: {  	v51 =	vld [tilespmem:s31+$0xFFFFFFE0];
	v48 =	vsub.f32 v13, v15;
	v4 =	vand.u32 $0x7FFFFFFF, v4;
	v6 =	vand.u32 $0x7FFFFFFF, v6  }
0x9e: {  	v52 =	vld [tilespmem:s31+$0xFFFFFFF0];
	v7 =	vand.u32 $0x7FFFFFFF, v7;
	v9 =	vand.u32 $0x7FFFFFFF, v47;
	v2 =	vand.u32 $0x7FFFFFFF, v2  }
0x9f: {  	v55 =	vld [tilespmem:s31+$0x0];
	v3 =	vand.u32 $0x7FFFFFFF, v3;
	v4 =	vadd.f32 v6, v4;
	v7 =	vadd.f32 v9, v7  }
0xa0: {  	v58 =	vld [tilespmem:s1+$0x0];
	v49 =	vsub.f32 v16, v17;
	v2 =	vadd.f32 v3, v2  }
0xa1: {  	v61 =	vld [tilespmem:s31+$0x10];
	v53 =	vsub.f32 v20, v21;
	v4 =	vadd.f32 v7, v4  }
0xa2: {  	v63 =	vld [tilespmem:s1+$0x10];
	v54 =	vsub.f32 v22, v23;
	v56 =	vsub.f32 v24, v25  }
0xa3: {  	v39 =	vld [tilespmem:s1+$0x20];
	v57 =	vsub.f32 v26, v27;
	v59 =	vsub.f32 v28, v29  }
0xa4: {  	v42 =	vld [tilespmem:s31+$0x30];
	v60 =	vsub.f32 v30, v31;
	v38 =	vsub.f32 v32, v33  }
0xa5: {  	v44 =	vld [tilespmem:s31+$0x40];
	v11 =	vand.u32 $0x7FFFFFFF, v48;
	v40 =	vsub.f32 v34, v35;
	v41 =	vsub.f32 v36, v37  }
0xa6: {  	v6 =	vld [tilespmem:s1+$0xFFFFFFD0];
	v13 =	vand.u32 $0x7FFFFFFF, v49;
	v5 =	vsub.f32 v5, v8;
	v10 =	vsub.f32 v10, v12  }
0xa7: {  	v3 =	vld [tilespmem:s1+$0xFFFFFFE0];
	v11 =	vadd.f32 v13, v11;
	v13 =	vsub.f32 v18, v19  }
0xa8: {  	v48 =	vld [tilespmem:s31+$0x50];
	v62 =	vand.u32 $0x7FFFFFFF, v57;
	v29 =	vand.u32 $0x7FFFFFFF, v59;
	v30 =	vand.u32 $0x7FFFFFFF, v60  }
0xa9: {  	v7 =	vld [tilespmem:s1+$0xFFFFFFF0];
	v16 =	vand.u32 $0x7FFFFFFF, v53;
	v43 =	vand.u32 $0x7FFFFFFF, v38;
	v45 =	vand.u32 $0x7FFFFFFF, v40  }
0xaa: {  	v31 =	vld [tilespmem:s31+$0x20];
	v46 =	vand.u32 $0x7FFFFFFF, v41;
	v5 =	vand.u32 $0x7FFFFFFF, v5;
	v53 =	vsub.f32 v61, v63  }
0xab: {  	s0 =	sadd.s32 $0x3, s30;
	v8 =	vld [tilespmem:s1+$0x30];
	v10 =	vand.u32 $0x7FFFFFFF, v10;
	v2 =	vadd.f32 v11, v2;
	v18 =	vadd.f32 v30, v29  }
0xac: {  	v49 =	vld [tilespmem:s1+$0x50];
	v59 =	vadd.s32 s0, v0;
	v5 =	vadd.f32 v5, v46;
	v6 =	vsub.f32 v50, v6  }
0xad: {  	v47 =	vld [tilespmem:s1+$0x40];
	v11 =	vand.u32 $0x7FFFFFFF, v54;
	v3 =	vsub.f32 v51, v3;
	v51 =	vsub.f32 v55, v58  }
0xae: {  	v50 =	vld [tilespmem:s31+$0x60];
	v13 =	vand.u32 $0x7FFFFFFF, v13;
	v11 =	vadd.f32 v11, v16;
	v16 =	vadd.f32 v45, v43  }
0xaf: {  	v54 =	vld [tilespmem:s31+$0x70];
	v2 =	vadd.f32 v2, v4;
	v4 =	vand.u32 $0x7FFFFFFF, v56;
	v7 =	vsub.f32 v52, v7  }
0xb0: {  	v55 =	vld [tilespmem:s1+$0x70];
	v6 =	vand.u32 $0x7FFFFFFF, v6;
	v57 =	vsub.f32 v31, v39;
	v8 =	vsub.f32 v42, v8  }
0xb1: {  	v58 =	vld [tilespmem:s31+$0xFFFFFF00];
	v3 =	vand.u32 $0x7FFFFFFF, v3;
	v12 =	vsub.f32 v48, v49;
	v4 =	vadd.f32 v62, v4  }
0xb2: {  	v52 =	vld [tilespmem:s1+$0x60];
	v56 =	vand.u32 $0x7FFFFFFF, v53;
	s1 =	sadd.s32 $0x1, s30;
	v5 =	vadd.f32 v5, v16;
	v6 =	vadd.f32 v6, v10  }
0xb3: {  	v60 =	vadd.s32 s1, v0;
	v7 =	vand.u32 $0x7FFFFFFF, v7;
	v16 =	vand.u32 $0x7FFFFFFF, v57  }
0xb4: {  	v8 =	vand.u32 $0x7FFFFFFF, v8;
	v4 =	vadd.f32 v18, v4;
	v3 =	vadd.f32 v7, v3  }
0xb5: {  	v12 =	vand.u32 $0x7FFFFFFF, v12;
	v18 =	vsub.f32 v44, v47;
	v10 =	vsub.f32 v54, v55  }
0xb6: {  	v7 =	vand.u32 $0x7FFFFFFF, v51;
	v8 =	vadd.f32 v8, v16;
	v1 =	vsub.f32 v58, v1  }
0xb7: {  	v7 =	vadd.f32 v56, v7;
	v9 =	vsub.f32 v50, v52;
	v61 =	vand.u32 $0x7FFFFFFF, v18  }
0xb8: {  	v10 =	vand.u32 $0x7FFFFFFF, v10;
	v1 =	vand.u32 $0x7FFFFFFF, v1;
	v3 =	vadd.f32 v3, v6  }
0xb9: {  	v12 =	vadd.f32 v12, v61;
	v1 =	vadd.f32 v13, v1;
	v9 =	vand.u32 $0x7FFFFFFF, v9  }
0xba: {  	s11 =	sadd.s32 $0x2, s30;
	v7 =	vadd.f32 v8, v7;
	v8 =	vadd.s32 s30, v0;
	v9 =	vadd.f32 v10, v9  }
0xbb: {  	v6 =	vadd.s32 s11, v0;
	v1 =	vadd.f32 v11, v1  }
0xbc: {  	v3 =	vadd.f32 v3, v5;
	v9 =	vadd.f32 v9, v12  }
0xbd: {  	[tilespmem:v59+s23+$0x0] =	vst.idx.msk $0xffff, v2;
	v1 =	vadd.f32 v4, v1  }
0xbe: {  	[tilespmem:v60+s23+$0x0] =	vst.idx.msk $0xffff, v3;
	v2 =	vadd.f32 v9, v7  }
0xbf: {  	[tilespmem:v8+s23+$0x0] =	vst.idx.msk $0xffff, v1  }
0xc0: {  	s1 =	simm.s32 $0x0;
	[tilespmem:v6+s23+$0x0] =	vst.idx.msk $0xffff, v2  }
0xc1: {  	v1 =	vld [tilespmem:s1+$0x16240]  }
0xc2: {  	v2 =	vld [tilespmem:s1+$0x162E1];
	_ =	sdelay $0x1  }
0xc3: {  	v3 =	vld [tilespmem:s1+$0x16382];
	_ =	sdelay $0x1  }
0xc4: {  	v4 =	vld [tilespmem:s1+$0x16423]  }
0xc5: {  	v1 =	vadd.f32 v2, v1  }
0xc6: {  	v2 =	vld [tilespmem:s1+$0x164C4]  }
0xc7: {  	v1 =	vadd.f32 v3, v1  }
0xc8: {  	v3 =	vld [tilespmem:s1+$0x16565]  }
0xc9: {  	v1 =	vadd.f32 v4, v1  }
0xca: {  	v4 =	vld [tilespmem:s1+$0x16606]  }
0xcb: {  	v1 =	vadd.f32 v2, v1  }
0xcc: {  	v2 =	vld [tilespmem:s1+$0x166A7]  }
0xcd: {  	s0 =	simm.s32 $0x10;
	v5 =	vld [tilespmem:s1+$0x16748];
	v1 =	vadd.f32 v3, v1  }
0xce: {  	v6 =	vld [tilespmem:s0+$0x16240]  }
0xcf: {  	v3 =	vld [tilespmem:s1+$0x167E9];
	v1 =	vadd.f32 v4, v1  }
0xd0: {  	v4 =	vld [tilespmem:s0+$0x162E1]  }
0xd1: {  	v7 =	vld [tilespmem:s0+$0x16382];
	v1 =	vadd.f32 v2, v1  }
0xd2: {  	v2 =	vld [tilespmem:s1+$0x1688A]  }
0xd3: {  	v8 =	vld [tilespmem:s0+$0x16423];
	v1 =	vadd.f32 v5, v1  }
0xd4: {  	v5 =	vld [tilespmem:s1+$0x1692B]  }
0xd5: {  	v4 =	vadd.f32 v4, v6;
	v6 =	vld [tilespmem:s0+$0x164C4];
	v1 =	vadd.f32 v3, v1  }
0xd6: {  	v3 =	vld [tilespmem:s1+$0x169CC]  }
0xd7: {  	v62 =	vld [tilespmem:s0+$0x16565];
	v4 =	vadd.f32 v7, v4;
	v1 =	vadd.f32 v2, v1  }
0xd8: {  	v7 =	vld [tilespmem:s1+$0x16A6D]  }
0xd9: {  	v63 =	vld [tilespmem:s0+$0x16606];
	v2 =	vadd.f32 v8, v4;
	v1 =	vadd.f32 v5, v1  }
0xda: {  	v8 =	vld [tilespmem:s1+$0x16B0E]  }
0xdb: {  	v4 =	vld [tilespmem:s0+$0x166A7];
	v5 =	vadd.f32 v6, v2;
	v3 =	vadd.f32 v3, v1  }
0xdc: {  	v2 =	vld [tilespmem:s1+$0x16BAF]  }
0xdd: {  	v1 =	vld [tilespmem:s0+$0x167E9];
	v6 =	vadd.f32 v62, v5;
	v7 =	vadd.f32 v7, v3  }
0xde: {  	s30 =	simm.s32 $0x20;
	v5 =	vld [tilespmem:s0+$0x16748]  }
0xdf: {  	s31 =	simm.s32 $0xC0;
	v3 =	vld [tilespmem:s30+$0x16240];
	v6 =	vadd.f32 v63, v6;
	v7 =	vadd.f32 v8, v7  }
.LBB2_4:
0xe0: {  	p1 =	sne.s32 s31, $0x240;
	v8 =	vld [tilespmem:s30+$0x162E1]  }
0xe1: {  	v4 =	vadd.f32 v4, v6;
	v6 =	vld [tilespmem:s0+$0x1688A];
	v2 =	vadd.f32 v2, v7  }
0xe2: {  	v7 =	vld [tilespmem:s30+$0x16382]  }
0xe3: {  	v4 =	vadd.f32 v5, v4;
	v5 =	vld [tilespmem:s0+$0x1692B];
	v2 =	vsub.f32 $0.0e+00, v2  }
0xe4: {  	v9 =	vld [tilespmem:s30+$0x16423]  }
0xe5: {  	v3 =	vadd.f32 v8, v3;
	v1 =	vadd.f32 v1, v4;
	v4 =	vld [tilespmem:s0+$0x169CC];
	[tilespmem:s1+$0xA180] =	vst v2;
	s1 =	smov.u32 s0;
	s0 =	smov.u32 s30  }
0xe6: {  	v2 =	vld [tilespmem:s0+$0x164C4]  }
0xe7: {  	v3 =	vadd.f32 v7, v3;
	v1 =	vadd.f32 v6, v1;
	v6 =	vld [tilespmem:s1+$0x16A6D]  }
0xe8: {  	v7 =	vld [tilespmem:s0+$0x16565]  }
0xe9: {  	v3 =	vadd.f32 v9, v3;
	v1 =	vadd.f32 v5, v1;
	v8 =	vld [tilespmem:s1+$0x16B0E]  }
0xea: {  	v9 =	vld [tilespmem:s0+$0x16606]  }
.Ltmp1:
0xeb: {  	v3 =	vadd.f32 v2, v3;
	v5 =	vadd.f32 v4, v1;
	v2 =	vld [tilespmem:s1+$0x16BAF];
	(pc) =	sbr.rel @p1 .LBB2_4-.Ltmp1, $4  }
0xec: {  	v4 =	vld [tilespmem:s0+$0x166A7]  }
0xed: {  	v7 =	vadd.f32 v7, v3;
	v1 =	vld [tilespmem:s0+$0x167E9];
	v10 =	vadd.f32 v6, v5  }
0xee: {  	s30 =	sshra.s32 s31, $0x2;
	v5 =	vld [tilespmem:s0+$0x16748]  }
0xef: {  	s31 =	sadd.s32 $0x40, s31;
	v3 =	vld [tilespmem:s30+$0x16240];
	v6 =	vadd.f32 v9, v7;
	v7 =	vadd.f32 v8, v10  }
0xf0: {  	v8 =	vld [tilespmem:s30+$0x162E1]  }
0xf1: {  	v9 =	vld [tilespmem:s0+$0x1688A];
	v2 =	vadd.f32 v2, v7  }
0xf2: {  	v7 =	vld [tilespmem:s30+$0x16382]  }
0xf3: {  	v10 =	vld [tilespmem:s0+$0x1692B];
	v4 =	vadd.f32 v4, v6;
	v2 =	vsub.f32 $0.0e+00, v2  }
0xf4: {  	v6 =	vld [tilespmem:s30+$0x16423]  }
0xf5: {  	v11 =	vld [tilespmem:s0+$0x169CC];
	v4 =	vadd.f32 v5, v4;
	v3 =	vadd.f32 v8, v3;
	[tilespmem:s1+$0xA180] =	vst v2  }
0xf6: {  	v2 =	vld [tilespmem:s30+$0x164C4]  }
0xf7: {  	v1 =	vadd.f32 v1, v4;
	v3 =	vadd.f32 v7, v3  }
0xf8: {  	v4 =	vld [tilespmem:s30+$0x16565]  }
0xf9: {  	v5 =	vld [tilespmem:s0+$0x16A6D];
	v1 =	vadd.f32 v9, v1;
	v3 =	vadd.f32 v6, v3  }
0xfa: {  	v6 =	vld [tilespmem:s30+$0x16606]  }
0xfb: {  	v7 =	vld [tilespmem:s0+$0x16B0E];
	v1 =	vadd.f32 v10, v1;
	v2 =	vadd.f32 v2, v3  }
0xfc: {  	v3 =	vld [tilespmem:s30+$0x166A7]  }
0xfd: {  	v8 =	vld [tilespmem:s0+$0x16BAF];
	v1 =	vadd.f32 v11, v1;
	v2 =	vadd.f32 v4, v2  }
0xfe: {  	v4 =	vld [tilespmem:s30+$0x16748]  }
0xff: {  	v1 =	vadd.f32 v5, v1;
	v2 =	vadd.f32 v6, v2  }
0x100: {  	v5 =	vld [tilespmem:s30+$0x167E9]  }
0x101: {  	v1 =	vadd.f32 v7, v1;
	v2 =	vadd.f32 v3, v2  }
0x102: {  	v3 =	vld [tilespmem:s30+$0x1688A]  }
0x103: {  	v1 =	vadd.f32 v8, v1;
	v2 =	vadd.f32 v4, v2  }
0x104: {  	v4 =	vld [tilespmem:s30+$0x1692B]  }
0x105: {  	v1 =	vsub.f32 $0.0e+00, v1;
	v2 =	vadd.f32 v5, v2  }
0x106: {  	v5 =	vld [tilespmem:s30+$0x169CC]  }
0x107: {  	[tilespmem:s0+$0xA180] =	vst v1;
	v1 =	vadd.f32 v3, v2  }
0x108: {  	v2 =	vld [tilespmem:s30+$0x16A6D]  }
0x109: {  	v1 =	vadd.f32 v4, v1  }
0x10a: {  	v3 =	vld [tilespmem:s30+$0x16B0E]  }
0x10b: {  	v1 =	vadd.f32 v5, v1  }
0x10c: {  	v4 =	vld [tilespmem:s30+$0x16BAF]  }
0x10d: {  	v1 =	vadd.f32 v2, v1;
	_ =	sdelay $0x1  }
0x10e: {  	v1 =	vadd.f32 v3, v1;
	_ =	sdelay $0x1  }
0x10f: {  	v1 =	vadd.f32 v4, v1;
	_ =	sdelay $0x1  }
0x110: {  	v1 =	vsub.f32 $0.0e+00, v1;
	_ =	sdelay $0x1  }
0x111: {  	[tilespmem:s30+$0xA180] =	vst v1  }
0x112: {  	_ =	swait.ge [sflag:s24], $0x5000  }
0x113: {  	[sflag:s24] =	ssyncset.done $0x0  }
0x114: {  	[sflag:s24] =	ssyncadd.s32 $0xFFFFB000  }
0x115: {  	_ =	swait.ge [sflag:s25], $0x5000  }
0x116: {  	[sflag:s25] =	ssyncset.done $0x0  }
0x117: {  	s31 =	simm.s32 $0x5100;
	[sflag:s25] =	ssyncadd.s32 $0xFFFFB000  }
0x118: {  	s1 =	simm.s32 $0xF400;
	v4 =	vld [tilespmem:s31+$0x80]  }
0x119: {  	v5 =	vld [tilespmem:s1+$0x80]  }
0x11a: {  	v6 =	vld [tilespmem:s31+$0x90]  }
0x11b: {  	v7 =	vld [tilespmem:s1+$0x90]  }
0x11c: {  	v8 =	vld [tilespmem:s31+$0xA0]  }
0x11d: {  	v9 =	vld [tilespmem:s1+$0xA0]  }
0x11e: {  	v10 =	vld [tilespmem:s31+$0xB0]  }
0x11f: {  	v11 =	vld [tilespmem:s1+$0xB0]  }
0x120: {  	v2 =	vld [tilespmem:s31+$0xC0]  }
0x121: {  	v12 =	vld [tilespmem:s1+$0xC0]  }
0x122: {  	v3 =	vld [tilespmem:s31+$0xD0]  }
0x123: {  	v14 =	vld [tilespmem:s1+$0xD0]  }
0x124: {  	v13 =	vld [tilespmem:s31+$0xE0]  }
0x125: {  	v15 =	vld [tilespmem:s1+$0xE0]  }
0x126: {  	v16 =	vld [tilespmem:s31+$0xF0]  }
0x127: {  	v17 =	vld [tilespmem:s1+$0xF0]  }
0x128: {  	s0 =	simm.s32 $0x4;
	s30 =	simm.s32 $0x0;
	v1 =	vld [tilespmem:s1+$0xFFFFFF00]  }
.LBB2_6:
0x129: {  	p1 =	slt.u32 s0, $0x9C;
	v18 =	vld [tilespmem:s31+$0xFFFFFF10];
	v4 =	vsub.f32 v4, v5;
	v5 =	vsub.f32 v6, v7  }
0x12a: {  	v7 =	vsub.f32 v8, v9;
	v8 =	vsub.f32 v10, v11;
	v6 =	vld [tilespmem:s1+$0xFFFFFF10]  }
0x12b: {  	v2 =	vsub.f32 v2, v12;
	v3 =	vsub.f32 v3, v14;
	v9 =	vld [tilespmem:s31+$0xFFFFFF20]  }
0x12c: {  	v11 =	vsub.f32 v13, v15;
	v4 =	vand.u32 $0x7FFFFFFF, v4;
	v10 =	vld [tilespmem:s1+$0xFFFFFF20];
	v12 =	vsub.f32 v16, v17  }
0x12d: {  	v5 =	vand.u32 $0x7FFFFFFF, v5;
	v7 =	vand.u32 $0x7FFFFFFF, v7;
	v8 =	vand.u32 $0x7FFFFFFF, v8;
	v13 =	vld [tilespmem:s31+$0xFFFFFF30]  }
0x12e: {  	v2 =	vand.u32 $0x7FFFFFFF, v2;
	v3 =	vand.u32 $0x7FFFFFFF, v3;
	v11 =	vand.u32 $0x7FFFFFFF, v11;
	v14 =	vld [tilespmem:s1+$0xFFFFFF30]  }
0x12f: {  	v4 =	vadd.f32 v5, v4;
	v5 =	vadd.f32 v8, v7;
	v12 =	vand.u32 $0x7FFFFFFF, v12;
	v15 =	vld [tilespmem:s31+$0xFFFFFF40]  }
0x130: {  	s11 =	sadd.s32 $0x3, s30;
	v2 =	vadd.f32 v3, v2;
	v3 =	vadd.f32 v12, v11;
	v7 =	vld [tilespmem:s1+$0xFFFFFF40]  }
0x131: {  	v6 =	vsub.f32 v18, v6;
	v8 =	vsub.f32 v9, v10;
	v9 =	vld [tilespmem:s31+$0xFFFFFF50];
	v10 =	vadd.s32 s11, v0  }
0x132: {  	v4 =	vadd.f32 v5, v4;
	v3 =	vadd.f32 v3, v2;
	v11 =	vld [tilespmem:s1+$0xFFFFFF50]  }
0x133: {  	v2 =	vand.u32 $0x7FFFFFFF, v6;
	v5 =	vand.u32 $0x7FFFFFFF, v8;
	v6 =	vsub.f32 v13, v14;
	v8 =	vld [tilespmem:s31+$0xFFFFFF60]  }
0x134: {  	v4 =	vadd.f32 v3, v4;
	v12 =	vld [tilespmem:s1+$0xFFFFFF60]  }
0x135: {  	v3 =	vand.u32 $0x7FFFFFFF, v6;
	v6 =	vsub.f32 v15, v7;
	v7 =	vld [tilespmem:s31+$0xFFFFFF70]  }
0x136: {  	v13 =	vld [tilespmem:s1+$0xFFFFFF70];
	v3 =	vadd.f32 v3, v5;
	[tilespmem:v10+s23+$0x0] =	vst.idx.msk $0xffff, v4  }
0x137: {  	v4 =	vand.u32 $0x7FFFFFFF, v6;
	v5 =	vsub.f32 v9, v11;
	v6 =	vld [tilespmem:s31+$0xFFFFFF80]  }
0x138: {  	v9 =	vld [tilespmem:s1+$0xFFFFFF80]  }
0x139: {  	v5 =	vand.u32 $0x7FFFFFFF, v5;
	v8 =	vsub.f32 v8, v12;
	v10 =	vld [tilespmem:s31+$0xFFFFFF90]  }
0x13a: {  	v4 =	vadd.f32 v5, v4;
	v5 =	vld [tilespmem:s1+$0xFFFFFF90]  }
0x13b: {  	v8 =	vand.u32 $0x7FFFFFFF, v8;
	v7 =	vsub.f32 v7, v13;
	v11 =	vld [tilespmem:s31+$0xFFFFFFA0]  }
0x13c: {  	v12 =	vld [tilespmem:s1+$0xFFFFFFA0]  }
0x13d: {  	v7 =	vand.u32 $0x7FFFFFFF, v7;
	v6 =	vsub.f32 v6, v9;
	v9 =	vld [tilespmem:s31+$0xFFFFFFB0]  }
0x13e: {  	v7 =	vadd.f32 v7, v8;
	v8 =	vld [tilespmem:s1+$0xFFFFFFB0]  }
0x13f: {  	v6 =	vand.u32 $0x7FFFFFFF, v6;
	v5 =	vsub.f32 v10, v5;
	v10 =	vld [tilespmem:s31+$0xFFFFFFC0]  }
0x140: {  	v13 =	vadd.f32 v7, v4;
	v4 =	vld [tilespmem:s1+$0xFFFFFFC0]  }
0x141: {  	v5 =	vand.u32 $0x7FFFFFFF, v5;
	v7 =	vsub.f32 v11, v12;
	v11 =	vld [tilespmem:s31+$0xFFFFFFD0]  }
0x142: {  	v12 =	vld [tilespmem:s1+$0xFFFFFFD0];
	v5 =	vadd.f32 v5, v6  }
0x143: {  	v6 =	vand.u32 $0x7FFFFFFF, v7;
	v7 =	vsub.f32 v9, v8;
	v8 =	vld [tilespmem:s31+$0xFFFFFFE0]  }
0x144: {  	v9 =	vld [tilespmem:s1+$0xFFFFFFE0]  }
0x145: {  	v7 =	vand.u32 $0x7FFFFFFF, v7;
	v4 =	vsub.f32 v10, v4;
	v10 =	vld [tilespmem:s31+$0xFFFFFFF0]  }
0x146: {  	v14 =	vld [tilespmem:s1+$0xFFFFFFF0];
	v6 =	vadd.f32 v7, v6  }
0x147: {  	v4 =	vand.u32 $0x7FFFFFFF, v4;
	v7 =	vsub.f32 v11, v12;
	v11 =	vld [tilespmem:s31+$0x0]  }
0x148: {  	v5 =	vadd.f32 v6, v5;
	v6 =	vld [tilespmem:s1+$0x0]  }
0x149: {  	v7 =	vand.u32 $0x7FFFFFFF, v7;
	v8 =	vsub.f32 v8, v9;
	v9 =	vld [tilespmem:s31+$0x10]  }
0x14a: {  	v4 =	vadd.f32 v7, v4;
	v7 =	vld [tilespmem:s1+$0x10]  }
0x14b: {  	v8 =	vand.u32 $0x7FFFFFFF, v8;
	v10 =	vsub.f32 v10, v14;
	v12 =	vld [tilespmem:s31+$0x20]  }
0x14c: {  	v14 =	vld [tilespmem:s1+$0x20]  }
0x14d: {  	v10 =	vand.u32 $0x7FFFFFFF, v10;
	v6 =	vsub.f32 v11, v6;
	v11 =	vld [tilespmem:s31+$0x30]  }
0x14e: {  	s11 =	sadd.s32 $0x1, s30;
	v8 =	vadd.f32 v10, v8;
	v10 =	vld [tilespmem:s1+$0x30]  }
0x14f: {  	v15 =	vadd.s32 s11, v0;
	v6 =	vand.u32 $0x7FFFFFFF, v6;
	v7 =	vsub.f32 v9, v7;
	v9 =	vld [tilespmem:s31+$0x40]  }
0x150: {  	v4 =	vadd.f32 v8, v4;
	v8 =	vld [tilespmem:s1+$0x40]  }
0x151: {  	v7 =	vand.u32 $0x7FFFFFFF, v7;
	v12 =	vsub.f32 v12, v14;
	v14 =	vld [tilespmem:s31+$0x50]  }
0x152: {  	v4 =	vadd.f32 v4, v5;
	v5 =	vld [tilespmem:s1+$0x50];
	v6 =	vadd.f32 v7, v6  }
0x153: {  	v7 =	vand.u32 $0x7FFFFFFF, v12;
	v10 =	vsub.f32 v11, v10;
	v11 =	vld [tilespmem:s31+$0x60]  }
0x154: {  	[tilespmem:v15+s23+$0x0] =	vst.idx.msk $0xffff, v4;
	v12 =	vld [tilespmem:s1+$0x60]  }
0x155: {  	v4 =	vand.u32 $0x7FFFFFFF, v10;
	v8 =	vsub.f32 v9, v8;
	v9 =	vld [tilespmem:s31+$0x70]  }
0x156: {  	v10 =	vld [tilespmem:s1+$0x70];
	v7 =	vadd.f32 v4, v7  }
0x157: {  	v15 =	vld [tilespmem:s31+$0xFFFFFF00];
	v8 =	vand.u32 $0x7FFFFFFF, v8;
	v14 =	vsub.f32 v14, v5;
	s31 =	sadd.s32 $0x200, s31  }
0x158: {  	s1 =	sadd.s32 $0x200, s1;
	v4 =	vld [tilespmem:s31+$0x80];
	v16 =	vadd.f32 v7, v6  }
0x159: {  	v5 =	vld [tilespmem:s1+$0x80];
	v7 =	vand.u32 $0x7FFFFFFF, v14;
	v11 =	vsub.f32 v11, v12  }
0x15a: {  	v6 =	vld [tilespmem:s31+$0x90];
	v12 =	vadd.f32 v7, v8  }
0x15b: {  	v7 =	vld [tilespmem:s1+$0x90];
	v11 =	vand.u32 $0x7FFFFFFF, v11;
	v10 =	vsub.f32 v9, v10  }
0x15c: {  	v8 =	vld [tilespmem:s31+$0xA0];
	v1 =	vsub.f32 v15, v1  }
0x15d: {  	v9 =	vld [tilespmem:s1+$0xA0];
	v14 =	vand.u32 $0x7FFFFFFF, v10  }
0x15e: {  	s11 =	sadd.s32 $0x2, s30;
	v10 =	vld [tilespmem:s31+$0xB0];
	v1 =	vand.u32 $0x7FFFFFFF, v1;
	v14 =	vadd.f32 v14, v11  }
0x15f: {  	v15 =	vadd.s32 s11, v0;
	v11 =	vld [tilespmem:s1+$0xB0];
	v1 =	vadd.f32 v2, v1  }
0x160: {  	v17 =	vadd.s32 s30, v0;
	s30 =	smov.u32 s0;
	v2 =	vld [tilespmem:s31+$0xC0];
	v14 =	vadd.f32 v14, v12  }
0x161: {  	v12 =	vld [tilespmem:s1+$0xC0];
	v1 =	vadd.f32 v3, v1  }
0x162: {  	v3 =	vld [tilespmem:s31+$0xD0];
	v16 =	vadd.f32 v14, v16  }
0x163: {  	v14 =	vld [tilespmem:s1+$0xD0];
	v1 =	vadd.f32 v13, v1  }
.Ltmp2:
0x164: {  	v13 =	vld [tilespmem:s31+$0xE0];
	[tilespmem:v15+s23+$0x0] =	vst.idx.msk $0xffff, v16;
	(pc) =	sbr.rel @p1 .LBB2_6-.Ltmp2, $4  }
0x165: {  	v15 =	vld [tilespmem:s1+$0xE0];
	[tilespmem:v17+s23+$0x0] =	vst.idx.msk $0xffff, v1  }
0x166: {  	v16 =	vld [tilespmem:s31+$0xF0]  }
0x167: {  	v17 =	vld [tilespmem:s1+$0xF0]  }
0x168: {  	s0 =	sadd.s32 $0x4, s0;
	v1 =	vld [tilespmem:s1+$0xFFFFFF00]  }
0x169: {  	v18 =	vld [tilespmem:s31+$0xFFFFFF10]  }
0x16a: {  	v19 =	vld [tilespmem:s1+$0xFFFFFF10]  }
0x16b: {  	v20 =	vld [tilespmem:s31+$0xFFFFFF20]  }
0x16c: {  	v21 =	vld [tilespmem:s1+$0xFFFFFF20]  }
0x16d: {  	v22 =	vld [tilespmem:s31+$0xFFFFFF30]  }
0x16e: {  	v23 =	vld [tilespmem:s1+$0xFFFFFF30]  }
0x16f: {  	v24 =	vld [tilespmem:s31+$0xFFFFFF40]  }
0x170: {  	v25 =	vld [tilespmem:s1+$0xFFFFFF40]  }
0x171: {  	v26 =	vld [tilespmem:s31+$0xFFFFFF50]  }
0x172: {  	v27 =	vld [tilespmem:s1+$0xFFFFFF50]  }
0x173: {  	v28 =	vld [tilespmem:s31+$0xFFFFFF60]  }
0x174: {  	v29 =	vld [tilespmem:s1+$0xFFFFFF60]  }
0x175: {  	v30 =	vld [tilespmem:s31+$0xFFFFFF70]  }
0x176: {  	v31 =	vld [tilespmem:s1+$0xFFFFFF70]  }
0x177: {  	v32 =	vld [tilespmem:s31+$0xFFFFFF80]  }
0x178: {  	v33 =	vld [tilespmem:s1+$0xFFFFFF80]  }
0x179: {  	v34 =	vld [tilespmem:s31+$0xFFFFFF90]  }
0x17a: {  	v35 =	vld [tilespmem:s1+$0xFFFFFF90]  }
0x17b: {  	v36 =	vld [tilespmem:s31+$0xFFFFFFA0]  }
0x17c: {  	v37 =	vld [tilespmem:s1+$0xFFFFFFA0]  }
0x17d: {  	v4 =	vsub.f32 v4, v5;
	v5 =	vld [tilespmem:s31+$0xFFFFFFB0]  }
0x17e: {  	v6 =	vsub.f32 v6, v7;
	v7 =	vsub.f32 v8, v9;
	v8 =	vld [tilespmem:s1+$0xFFFFFFB0]  }
0x17f: {  	v47 =	vsub.f32 v10, v11;
	v10 =	vld [tilespmem:s31+$0xFFFFFFC0]  }
0x180: {  	v2 =	vsub.f32 v2, v12;
	v12 =	vld [tilespmem:s1+$0xFFFFFFC0]  }
0x181: {  	v3 =	vsub.f32 v3, v14;
	v50 =	vld [tilespmem:s31+$0xFFFFFFD0]  }
0x182: {  	v51 =	vld [tilespmem:s31+$0xFFFFFFE0];
	v48 =	vsub.f32 v13, v15;
	v4 =	vand.u32 $0x7FFFFFFF, v4;
	v6 =	vand.u32 $0x7FFFFFFF, v6  }
0x183: {  	v52 =	vld [tilespmem:s31+$0xFFFFFFF0];
	v7 =	vand.u32 $0x7FFFFFFF, v7;
	v9 =	vand.u32 $0x7FFFFFFF, v47;
	v2 =	vand.u32 $0x7FFFFFFF, v2  }
0x184: {  	v55 =	vld [tilespmem:s31+$0x0];
	v3 =	vand.u32 $0x7FFFFFFF, v3;
	v4 =	vadd.f32 v6, v4;
	v7 =	vadd.f32 v9, v7  }
0x185: {  	v58 =	vld [tilespmem:s1+$0x0];
	v49 =	vsub.f32 v16, v17;
	v2 =	vadd.f32 v3, v2  }
0x186: {  	v61 =	vld [tilespmem:s31+$0x10];
	v53 =	vsub.f32 v20, v21;
	v4 =	vadd.f32 v7, v4  }
0x187: {  	v63 =	vld [tilespmem:s1+$0x10];
	v54 =	vsub.f32 v22, v23;
	v56 =	vsub.f32 v24, v25  }
0x188: {  	v39 =	vld [tilespmem:s1+$0x20];
	v57 =	vsub.f32 v26, v27;
	v59 =	vsub.f32 v28, v29  }
0x189: {  	v42 =	vld [tilespmem:s31+$0x30];
	v60 =	vsub.f32 v30, v31;
	v38 =	vsub.f32 v32, v33  }
0x18a: {  	v44 =	vld [tilespmem:s31+$0x40];
	v11 =	vand.u32 $0x7FFFFFFF, v48;
	v40 =	vsub.f32 v34, v35;
	v41 =	vsub.f32 v36, v37  }
0x18b: {  	v6 =	vld [tilespmem:s1+$0xFFFFFFD0];
	v13 =	vand.u32 $0x7FFFFFFF, v49;
	v5 =	vsub.f32 v5, v8;
	v10 =	vsub.f32 v10, v12  }
0x18c: {  	v3 =	vld [tilespmem:s1+$0xFFFFFFE0];
	v11 =	vadd.f32 v13, v11;
	v13 =	vsub.f32 v18, v19  }
0x18d: {  	v48 =	vld [tilespmem:s31+$0x50];
	v62 =	vand.u32 $0x7FFFFFFF, v57;
	v29 =	vand.u32 $0x7FFFFFFF, v59;
	v30 =	vand.u32 $0x7FFFFFFF, v60  }
0x18e: {  	v7 =	vld [tilespmem:s1+$0xFFFFFFF0];
	v16 =	vand.u32 $0x7FFFFFFF, v53;
	v43 =	vand.u32 $0x7FFFFFFF, v38;
	v45 =	vand.u32 $0x7FFFFFFF, v40  }
0x18f: {  	v31 =	vld [tilespmem:s31+$0x20];
	v46 =	vand.u32 $0x7FFFFFFF, v41;
	v5 =	vand.u32 $0x7FFFFFFF, v5;
	v53 =	vsub.f32 v61, v63  }
0x190: {  	s0 =	sadd.s32 $0x3, s30;
	v8 =	vld [tilespmem:s1+$0x30];
	v10 =	vand.u32 $0x7FFFFFFF, v10;
	v2 =	vadd.f32 v11, v2;
	v18 =	vadd.f32 v30, v29  }
0x191: {  	v49 =	vld [tilespmem:s1+$0x50];
	v59 =	vadd.s32 s0, v0;
	v5 =	vadd.f32 v5, v46;
	v6 =	vsub.f32 v50, v6  }
0x192: {  	v47 =	vld [tilespmem:s1+$0x40];
	v11 =	vand.u32 $0x7FFFFFFF, v54;
	v3 =	vsub.f32 v51, v3;
	v51 =	vsub.f32 v55, v58  }
0x193: {  	v50 =	vld [tilespmem:s31+$0x60];
	v13 =	vand.u32 $0x7FFFFFFF, v13;
	v11 =	vadd.f32 v11, v16;
	v16 =	vadd.f32 v45, v43  }
0x194: {  	v54 =	vld [tilespmem:s31+$0x70];
	v2 =	vadd.f32 v2, v4;
	v4 =	vand.u32 $0x7FFFFFFF, v56;
	v7 =	vsub.f32 v52, v7  }
0x195: {  	v55 =	vld [tilespmem:s1+$0x70];
	v6 =	vand.u32 $0x7FFFFFFF, v6;
	v57 =	vsub.f32 v31, v39;
	v8 =	vsub.f32 v42, v8  }
0x196: {  	v58 =	vld [tilespmem:s31+$0xFFFFFF00];
	v3 =	vand.u32 $0x7FFFFFFF, v3;
	v12 =	vsub.f32 v48, v49;
	v4 =	vadd.f32 v62, v4  }
0x197: {  	v52 =	vld [tilespmem:s1+$0x60];
	v56 =	vand.u32 $0x7FFFFFFF, v53;
	s1 =	sadd.s32 $0x1, s30;
	v5 =	vadd.f32 v5, v16;
	v6 =	vadd.f32 v6, v10  }
0x198: {  	v60 =	vadd.s32 s1, v0;
	v7 =	vand.u32 $0x7FFFFFFF, v7;
	v16 =	vand.u32 $0x7FFFFFFF, v57  }
0x199: {  	v8 =	vand.u32 $0x7FFFFFFF, v8;
	v4 =	vadd.f32 v18, v4;
	v3 =	vadd.f32 v7, v3  }
0x19a: {  	v12 =	vand.u32 $0x7FFFFFFF, v12;
	v18 =	vsub.f32 v44, v47;
	v10 =	vsub.f32 v54, v55  }
0x19b: {  	v7 =	vand.u32 $0x7FFFFFFF, v51;
	v8 =	vadd.f32 v8, v16;
	v1 =	vsub.f32 v58, v1  }
0x19c: {  	v7 =	vadd.f32 v56, v7;
	v9 =	vsub.f32 v50, v52;
	v61 =	vand.u32 $0x7FFFFFFF, v18  }
0x19d: {  	v10 =	vand.u32 $0x7FFFFFFF, v10;
	v1 =	vand.u32 $0x7FFFFFFF, v1;
	v3 =	vadd.f32 v3, v6  }
0x19e: {  	v12 =	vadd.f32 v12, v61;
	v1 =	vadd.f32 v13, v1;
	v9 =	vand.u32 $0x7FFFFFFF, v9  }
0x19f: {  	s11 =	sadd.s32 $0x2, s30;
	v7 =	vadd.f32 v8, v7;
	v8 =	vadd.s32 s30, v0;
	v9 =	vadd.f32 v10, v9  }
0x1a0: {  	v6 =	vadd.s32 s11, v0;
	v1 =	vadd.f32 v11, v1  }
0x1a1: {  	v3 =	vadd.f32 v3, v5;
	v9 =	vadd.f32 v9, v12  }
0x1a2: {  	[tilespmem:v59+s23+$0x0] =	vst.idx.msk $0xffff, v2;
	v1 =	vadd.f32 v4, v1  }
0x1a3: {  	[tilespmem:v60+s23+$0x0] =	vst.idx.msk $0xffff, v3;
	v2 =	vadd.f32 v9, v7  }
0x1a4: {  	[tilespmem:v8+s23+$0x0] =	vst.idx.msk $0xffff, v1  }
0x1a5: {  	s1 =	simm.s32 $0x0;
	[tilespmem:v6+s23+$0x0] =	vst.idx.msk $0xffff, v2  }
0x1a6: {  	v1 =	vld [tilespmem:s1+$0x16240]  }
0x1a7: {  	v2 =	vld [tilespmem:s1+$0x162E1];
	_ =	sdelay $0x1  }
0x1a8: {  	v3 =	vld [tilespmem:s1+$0x16382];
	_ =	sdelay $0x1  }
0x1a9: {  	v4 =	vld [tilespmem:s1+$0x16423]  }
0x1aa: {  	v1 =	vadd.f32 v2, v1  }
0x1ab: {  	v2 =	vld [tilespmem:s1+$0x164C4]  }
0x1ac: {  	v1 =	vadd.f32 v3, v1  }
0x1ad: {  	v3 =	vld [tilespmem:s1+$0x16565]  }
0x1ae: {  	v1 =	vadd.f32 v4, v1  }
0x1af: {  	v4 =	vld [tilespmem:s1+$0x16606]  }
0x1b0: {  	v1 =	vadd.f32 v2, v1  }
0x1b1: {  	v2 =	vld [tilespmem:s1+$0x166A7]  }
0x1b2: {  	s0 =	simm.s32 $0x10;
	v5 =	vld [tilespmem:s1+$0x16748];
	v1 =	vadd.f32 v3, v1  }
0x1b3: {  	v6 =	vld [tilespmem:s0+$0x16240]  }
0x1b4: {  	v3 =	vld [tilespmem:s1+$0x167E9];
	v1 =	vadd.f32 v4, v1  }
0x1b5: {  	v4 =	vld [tilespmem:s0+$0x162E1]  }
0x1b6: {  	v7 =	vld [tilespmem:s0+$0x16382];
	v1 =	vadd.f32 v2, v1  }
0x1b7: {  	v2 =	vld [tilespmem:s1+$0x1688A]  }
0x1b8: {  	v8 =	vld [tilespmem:s0+$0x16423];
	v1 =	vadd.f32 v5, v1  }
0x1b9: {  	v5 =	vld [tilespmem:s1+$0x1692B]  }
0x1ba: {  	v4 =	vadd.f32 v4, v6;
	v6 =	vld [tilespmem:s0+$0x164C4];
	v1 =	vadd.f32 v3, v1  }
0x1bb: {  	v3 =	vld [tilespmem:s1+$0x169CC]  }
0x1bc: {  	v62 =	vld [tilespmem:s0+$0x16565];
	v4 =	vadd.f32 v7, v4;
	v1 =	vadd.f32 v2, v1  }
0x1bd: {  	v7 =	vld [tilespmem:s1+$0x16A6D]  }
0x1be: {  	v63 =	vld [tilespmem:s0+$0x16606];
	v2 =	vadd.f32 v8, v4;
	v1 =	vadd.f32 v5, v1  }
0x1bf: {  	v8 =	vld [tilespmem:s1+$0x16B0E]  }
0x1c0: {  	v4 =	vld [tilespmem:s0+$0x166A7];
	v5 =	vadd.f32 v6, v2;
	v3 =	vadd.f32 v3, v1  }
0x1c1: {  	v2 =	vld [tilespmem:s1+$0x16BAF]  }
0x1c2: {  	v1 =	vld [tilespmem:s0+$0x167E9];
	v6 =	vadd.f32 v62, v5;
	v7 =	vadd.f32 v7, v3  }
0x1c3: {  	s30 =	simm.s32 $0x20;
	v5 =	vld [tilespmem:s0+$0x16748]  }
0x1c4: {  	s31 =	simm.s32 $0xC0;
	v3 =	vld [tilespmem:s30+$0x16240];
	v6 =	vadd.f32 v63, v6;
	v7 =	vadd.f32 v8, v7  }
.LBB2_8:
0x1c5: {  	p1 =	sne.s32 s31, $0x240;
	v8 =	vld [tilespmem:s30+$0x162E1]  }
0x1c6: {  	v4 =	vadd.f32 v4, v6;
	v6 =	vld [tilespmem:s0+$0x1688A];
	v2 =	vadd.f32 v2, v7  }
0x1c7: {  	v7 =	vld [tilespmem:s30+$0x16382]  }
0x1c8: {  	v4 =	vadd.f32 v5, v4;
	v5 =	vld [tilespmem:s0+$0x1692B];
	v2 =	vsub.f32 $0.0e+00, v2  }
0x1c9: {  	v9 =	vld [tilespmem:s30+$0x16423]  }
0x1ca: {  	v3 =	vadd.f32 v8, v3;
	v1 =	vadd.f32 v1, v4;
	v4 =	vld [tilespmem:s0+$0x169CC];
	[tilespmem:s1+$0xA220] =	vst v2;
	s1 =	smov.u32 s0;
	s0 =	smov.u32 s30  }
0x1cb: {  	v2 =	vld [tilespmem:s0+$0x164C4]  }
0x1cc: {  	v3 =	vadd.f32 v7, v3;
	v1 =	vadd.f32 v6, v1;
	v6 =	vld [tilespmem:s1+$0x16A6D]  }
0x1cd: {  	v7 =	vld [tilespmem:s0+$0x16565]  }
0x1ce: {  	v3 =	vadd.f32 v9, v3;
	v1 =	vadd.f32 v5, v1;
	v8 =	vld [tilespmem:s1+$0x16B0E]  }
0x1cf: {  	v9 =	vld [tilespmem:s0+$0x16606]  }
.Ltmp3:
0x1d0: {  	v3 =	vadd.f32 v2, v3;
	v5 =	vadd.f32 v4, v1;
	v2 =	vld [tilespmem:s1+$0x16BAF];
	(pc) =	sbr.rel @p1 .LBB2_8-.Ltmp3, $4  }
0x1d1: {  	v4 =	vld [tilespmem:s0+$0x166A7]  }
0x1d2: {  	v7 =	vadd.f32 v7, v3;
	v1 =	vld [tilespmem:s0+$0x167E9];
	v10 =	vadd.f32 v6, v5  }
0x1d3: {  	s30 =	sshra.s32 s31, $0x2;
	v5 =	vld [tilespmem:s0+$0x16748]  }
0x1d4: {  	s31 =	sadd.s32 $0x40, s31;
	v3 =	vld [tilespmem:s30+$0x16240];
	v6 =	vadd.f32 v9, v7;
	v7 =	vadd.f32 v8, v10  }
0x1d5: {  	v8 =	vld [tilespmem:s30+$0x162E1]  }
0x1d6: {  	v9 =	vld [tilespmem:s0+$0x1688A];
	v2 =	vadd.f32 v2, v7  }
0x1d7: {  	v52 =	vld [tilespmem:s30+$0x16382]  }
0x1d8: {  	v10 =	vld [tilespmem:s0+$0x1692B];
	v4 =	vadd.f32 v4, v6;
	v2 =	vsub.f32 $0.0e+00, v2  }
0x1d9: {  	v53 =	vld [tilespmem:s30+$0x16423]  }
0x1da: {  	v11 =	vld [tilespmem:s0+$0x169CC];
	v4 =	vadd.f32 v5, v4;
	v3 =	vadd.f32 v8, v3;
	[tilespmem:s1+$0xA220] =	vst v2  }
0x1db: {  	v2 =	vld [tilespmem:s30+$0x164C4]  }
0x1dc: {  	v1 =	vadd.f32 v1, v4;
	v3 =	vadd.f32 v52, v3  }
0x1dd: {  	v54 =	vld [tilespmem:s30+$0x16565]  }
0x1de: {  	v55 =	vld [tilespmem:s0+$0x16A6D];
	v1 =	vadd.f32 v9, v1;
	v3 =	vadd.f32 v53, v3  }
0x1df: {  	v56 =	vld [tilespmem:s30+$0x16606]  }
0x1e0: {  	v57 =	vld [tilespmem:s0+$0x16B0E];
	v1 =	vadd.f32 v10, v1;
	v2 =	vadd.f32 v2, v3  }
0x1e1: {  	v3 =	vld [tilespmem:s30+$0x166A7]  }
0x1e2: {  	v58 =	vld [tilespmem:s0+$0x16BAF];
	v1 =	vadd.f32 v11, v1;
	v2 =	vadd.f32 v54, v2  }
0x1e3: {  	v59 =	vld [tilespmem:s30+$0x16748]  }
0x1e4: {  	v1 =	vadd.f32 v55, v1;
	v2 =	vadd.f32 v56, v2  }
0x1e5: {  	v60 =	vld [tilespmem:s30+$0x167E9]  }
0x1e6: {  	v1 =	vadd.f32 v57, v1;
	v2 =	vadd.f32 v3, v2  }
0x1e7: {  	v3 =	vld [tilespmem:s30+$0x1688A]  }
0x1e8: {  	v1 =	vadd.f32 v58, v1;
	v2 =	vadd.f32 v59, v2  }
0x1e9: {  	v61 =	vld [tilespmem:s30+$0x1692B]  }
0x1ea: {  	v1 =	vsub.f32 $0.0e+00, v1;
	v2 =	vadd.f32 v60, v2  }
0x1eb: {  	v62 =	vld [tilespmem:s30+$0x169CC]  }
0x1ec: {  	[tilespmem:s0+$0xA220] =	vst v1;
	v1 =	vadd.f32 v3, v2  }
0x1ed: {  	v2 =	vld [tilespmem:s30+$0x16A6D]  }
0x1ee: {  	v1 =	vadd.f32 v61, v1  }
0x1ef: {  	v3 =	vld [tilespmem:s30+$0x16B0E]  }
0x1f0: {  	v1 =	vadd.f32 v62, v1  }
0x1f1: {  	v63 =	vld [tilespmem:s30+$0x16BAF]  }
0x1f2: {  	v1 =	vadd.f32 v2, v1;
	_ =	sdelay $0x1  }
0x1f3: {  	v1 =	vadd.f32 v3, v1;
	_ =	sdelay $0x1  }
0x1f4: {  	v1 =	vadd.f32 v63, v1;
	_ =	sdelay $0x1  }
0x1f5: {  	s29 =	sadd.s32 $0x1, s29;
	v1 =	vsub.f32 $0.0e+00, v1  }
0x1f6: {  	p1 =	sne.s32 s29, s10  }
.Ltmp4:
0x1f7: {  	[tilespmem:s30+$0xA220] =	vst v1;
	(pc) =	sbr.rel @p1 .LBB2_1-.Ltmp4, $4  }
0x1f8: {  	[hbm4b:s9+s3] =	stream.linear.scatter [tilespmem:s26], [sflag:$0x8], $0x140, $0x38;
	[tilespmem:$0x16CC0] =	vst v63  }
0x1f9: {  	_ =	swait.ge [sflag:s28], $0x140  }
0x1fa: {  	[sflag:s28] =	ssyncset.done $0x0  }
0x1fb: {  	[sflag:s28] =	ssyncadd.s32 $0xFFFFFEC0  }
0x1fc: {  	_ =	sfence.sel $0x180000  }
0x1fd: {  	[bflag:$0x0] =	sbarrier.arrive $0xFFFF  }
0x1fe: {  	_ =	strace $0x90000047  }
0x1ff: {  	[bflag:$0x2] =	sbarrier.arrive $0xFFFF  }
0x200: {  	s0 =	rddreg [dreg:$0x6]  }
0x201: {  	s0 =	sadd.s32 @!p0 $0x100000, s0  }
0x202: {  	[sflag:s0] =	ssyncadd.tile.s32 @!p0 $0x1;
	_ =	shalt  }
.Lfunc_end2:
_tile_overlayer_lowered:
.L_overlay_start_2:
0x203: {  	(tag) =	ssettag $0x2  }
0x204: {  	s0 =	rddreg [dreg:$0x0];
	s2 =	stileid.u32  }
0x205: {  	s1 =	rddreg [dreg:$0x1];
	p0 =	sne.s32 s2, $0x0  }
0x206: {  	s3 =	rddreg [dreg:$0x2];
	[bflag:$0x3] =	sbarrier.arrive $0xFFFF;
	s2 =	simm.s32 @!p0 $0x1C08  }
0x207: {  	[timem:s3], [sflag:s2] =	dma.local @!p0 [hbm:s0], s1  }
0x208: {  	s0 =	simm.s32 @!p0 $0x8  }
0x209: {  	_ =	swait.ge @!p0 [sflag:s0], s1  }
0x20a: {  	s1 =	ssub.s32 @!p0 $0x0, s1;
	[sflag:s0] =	ssyncset.done @!p0 $0x0  }
0x20b: {  	[sflag:s0] =	ssyncadd.s32 @!p0 s1  }
0x20c: {  	[bflag:$0x3] =	sbarrier.arrive $0xFFFF  }
0x20d: {  	_ =	shalt  }

</sc_bundles>
